<compile_context>
chip_gen: v7x
topology: tpu7x:2x2x1
jax: 0.10.2.dev20260603
libtpu: 0.0.44.dev20260713+nightly
codegen_flags: <defaults>
</compile_context>

<pallas_src>
import functools

import jax
import jax.numpy as jnp
from jax import lax
from jax.experimental import pallas as pl
from jax.experimental.pallas import tpu as pltpu
from jax.experimental.pallas import tpu_sc as plsc

D_MODEL = 384
_SCALE = float(D_MODEL) ** 0.5
_LANES = 16

_NW = 32
_CHUNK = 64


def _embed_body(idx_hbm, table_hbm, out_hbm, idx_v,
                g0, g1, w0, w1, gs0, gs1, ws0, ws1, *, n_chunks):
    gbufs, wbufs = (g0, g1), (w0, w1)
    gsems, wsems = (gs0, gs1), (ws0, ws1)
    wid = lax.axis_index("s") * 2 + lax.axis_index("c")
    base_row = wid * (n_chunks * _CHUNK)
    pltpu.sync_copy(idx_hbm.at[wid], idx_v)

    def gather_start(c, b):
        pltpu.make_async_copy(
            table_hbm.at[idx_v.at[c]], gbufs[b], gsems[b]).start()

    def gather_wait(b):
        pltpu.make_async_copy(table_hbm.at[idx_v.at[0]], gbufs[b],
                              gsems[b]).wait()

    def wb_start(c, b):
        pltpu.make_async_copy(
            wbufs[b], out_hbm.at[pl.ds(base_row + c * _CHUNK, _CHUNK)],
            wsems[b]).start()

    def wb_wait(b):
        pltpu.make_async_copy(wbufs[b],
                              out_hbm.at[pl.ds(0, _CHUNK)], wsems[b]).wait()

    gather_start(0, 0)
    gather_start(1, 1)

    def pass_body(p, carry):
        cc = p * 2
        for b in range(2):
            c = cc + b
            gather_wait(b)

            @pl.when(c >= 2)
            def _(b=b):
                wb_wait(b)

            def row_body(j, rcarry, gbuf=gbufs[b], wbuf=wbufs[b]):
                for i in range(D_MODEL // _LANES):
                    sl = pl.ds(i * _LANES, _LANES)
                    wbuf[j, sl] = gbuf[j, sl] * _SCALE
                return rcarry

            lax.fori_loop(0, _CHUNK, row_body, 0)

            @pl.when(c + 2 < n_chunks)
            def _(c=c, b=b):
                gather_start(c + 2, b)

            wb_start(c, b)
        return carry

    lax.fori_loop(0, n_chunks // 2, pass_body, 0)
    wb_wait(0)
    wb_wait(1)


def kernel(x, W):
    orig_shape = x.shape
    b_total = x.size
    assert b_total % (_NW * _CHUNK) == 0
    n_chunks = b_total // (_NW * _CHUNK)
    assert n_chunks % 2 == 0
    idx = x.reshape(_NW, n_chunks, _CHUNK).astype(jnp.int32)

    mesh = plsc.VectorSubcoreMesh(core_axis_name="c", subcore_axis_name="s")
    run = functools.partial(
        pl.kernel,
        mesh=mesh,
        out_type=jax.ShapeDtypeStruct((b_total, D_MODEL), jnp.float32),
        scratch_types=(
            [pltpu.VMEM((n_chunks, _CHUNK), jnp.int32)]
            + [pltpu.VMEM((_CHUNK, D_MODEL), jnp.float32)] * 4
            + [pltpu.SemaphoreType.DMA] * 4
        ),
    )(functools.partial(_embed_body, n_chunks=n_chunks))
    out = run(idx, W)
    return out.reshape(*orig_shape, D_MODEL)

# --- scband reference (transcript-rebuilt; emitter-appended) ---
"""Pipeline reference for scband-embed-61710090109193 (READ-ONLY COPY).

The authoritative reference and input builder live on the scoring server;
editing this copy changes nothing except your own understanding.
"""

import jax, jax.numpy as jnp
import numpy as np

VOCAB = 100000
D_MODEL = 384

def setup_inputs(seed: int = 0) -> dict:
    key = jax.random.key(seed)
    k1, k2 = jax.random.split(key)
    x = jax.random.randint(k1, (1024, 128), 0, VOCAB, dtype=jnp.int64)
    # hk.Embed with RandomNormal(stddev=1.0) init
    W = jax.random.normal(k2, (VOCAB, D_MODEL), dtype=jnp.float32)
    return {"x": x, "W": W}

def reference(x, W):
    # hk.Embed lookup_style=ARRAY_INDEX -> plain gather: table[idx]
    emb = jnp.take(W, x, axis=0)
    # scale by sqrt(d_model) as in the module's __call__
    return emb * jax.lax.sqrt(float(D_MODEL))

if __name__ == "__main__":
    import jax
    _d = setup_inputs()
    print(jax.jit(kernel)(*tuple(_d.values())))

</pallas_src>

<mosaic_0001>
#map = affine_map<(d0, d1) -> (0, 0, 0)>
#map1 = affine_map<(d0, d1) -> (0, 0)>
module attributes {stable_mosaic.version = 14 : i64} {
  func.func @_embed_body(%arg0: i32, %arg1: i32, %arg2: memref<32x64x64xi32, #tpu.memory_space<hbm>>, %arg3: memref<100000x384xf32, #tpu.memory_space<hbm>>, %arg4: memref<131072x384xf32, #tpu.memory_space<hbm>>, %arg5: memref<64x64xi32, #tpu.memory_space<vmem>>, %arg6: memref<64x384xf32, #tpu.memory_space<vmem>>, %arg7: memref<64x384xf32, #tpu.memory_space<vmem>>, %arg8: memref<64x384xf32, #tpu.memory_space<vmem>>, %arg9: memref<64x384xf32, #tpu.memory_space<vmem>>, %arg10: memref<!tpu.dma_semaphore, #tpu.memory_space<semaphore_mem>>, %arg11: memref<!tpu.dma_semaphore, #tpu.memory_space<semaphore_mem>>, %arg12: memref<!tpu.dma_semaphore, #tpu.memory_space<semaphore_mem>>, %arg13: memref<!tpu.dma_semaphore, #tpu.memory_space<semaphore_mem>>) attributes {dimension_semantics = [#tpu.dimension_semantics<core_parallel>, #tpu.dimension_semantics<subcore_parallel>], iteration_bounds = array<i64: 2, 16>, scalar_prefetch = 0 : i64, scratch_operands = 9 : i64, tpu.core_type = #tpu.core_type<sc_vector_subcore>, window_params = [{transform_indices = #map}, {transform_indices = #map1}, {transform_indices = #map1}]} {
    %mul3A = arith.constant 2 : i32
    %mul3A_0 = arith.muli %arg1, %mul3A : i32
    %add3A = arith.addi %mul3A_0, %arg0 : i32
    %mul3A_1 = arith.constant 4096 : i32
    %mul3A_2 = arith.muli %add3A, %mul3A_1 : i32
    "tpu.region"() ({
      %run_scoped3A = tpu.sem_alloc : memref<!tpu.dma_semaphore, #tpu.memory_space<semaphore_mem>>
      %dma_start3A_32 = arith.constant 0 : i32
      %dma_start3A_33 = arith.constant 0 : i32
      %dma_start3A_34 = tpu.memref_slice %arg2[%add3A, %dma_start3A_32, %dma_start3A_33] : memref<32x64x64xi32, #tpu.memory_space<hbm>> -> memref<1x64x64xi32, #tpu.memory_space<hbm>>
      %dma_start3A_35 = tpu.memref_squeeze %dma_start3A_34 : memref<1x64x64xi32, #tpu.memory_space<hbm>> -> memref<64x64xi32, #tpu.memory_space<hbm>>
      %dma_start3A_36 = arith.constant 0 : i32
      %dma_start3A_37 = arith.constant 0 : i32
      %dma_start3A_38 = tpu.memref_slice %arg2[%add3A, %dma_start3A_36, %dma_start3A_37] : memref<32x64x64xi32, #tpu.memory_space<hbm>> -> memref<1x64x64xi32, #tpu.memory_space<hbm>>
      %dma_start3A_39 = tpu.memref_squeeze %dma_start3A_38 : memref<1x64x64xi32, #tpu.memory_space<hbm>> -> memref<64x64xi32, #tpu.memory_space<hbm>>
      tpu.enqueue_dma source(%dma_start3A_39 : memref<64x64xi32, #tpu.memory_space<hbm>>) target(%arg5 : memref<64x64xi32, #tpu.memory_space<vmem>>) target_semaphore(%run_scoped3A : memref<!tpu.dma_semaphore, #tpu.memory_space<semaphore_mem>>)
      %dma_wait3A_40 = arith.constant 0 : i32
      %dma_wait3A_41 = arith.constant 0 : i32
      %dma_wait3A_42 = tpu.memref_slice %arg2[%add3A, %dma_wait3A_40, %dma_wait3A_41] : memref<32x64x64xi32, #tpu.memory_space<hbm>> -> memref<1x64x64xi32, #tpu.memory_space<hbm>>
      %dma_wait3A_43 = tpu.memref_squeeze %dma_wait3A_42 : memref<1x64x64xi32, #tpu.memory_space<hbm>> -> memref<64x64xi32, #tpu.memory_space<hbm>>
      %dma_wait3A_44 = arith.constant 0 : i32
      %dma_wait3A_45 = arith.constant 0 : i32
      %dma_wait3A_46 = tpu.memref_slice %arg2[%add3A, %dma_wait3A_44, %dma_wait3A_45] : memref<32x64x64xi32, #tpu.memory_space<hbm>> -> memref<1x64x64xi32, #tpu.memory_space<hbm>>
      %dma_wait3A_47 = tpu.memref_squeeze %dma_wait3A_46 : memref<1x64x64xi32, #tpu.memory_space<hbm>> -> memref<64x64xi32, #tpu.memory_space<hbm>>
      tpu.wait_dma2 semaphore(%run_scoped3A : memref<!tpu.dma_semaphore, #tpu.memory_space<semaphore_mem>>) src(%dma_wait3A_47 : memref<64x64xi32, #tpu.memory_space<hbm>>) dst(%arg5 : memref<64x64xi32, #tpu.memory_space<vmem>>)
      tpu.yield
    }) : () -> ()
    %dma_start3A = arith.constant 0 : i32
    %dma_start3A_3 = arith.constant 0 : i32
    %dma_start3A_4 = tpu.memref_slice %arg5[%dma_start3A, %dma_start3A_3] : memref<64x64xi32, #tpu.memory_space<vmem>> -> memref<1x64xi32, #tpu.memory_space<vmem>>
    %dma_start3A_5 = tpu.memref_squeeze %dma_start3A_4 : memref<1x64xi32, #tpu.memory_space<vmem>> -> memref<64xi32, #tpu.memory_space<vmem>>
    %dma_start3A_6 = arith.constant 0 : i32
    %dma_start3A_7 = arith.constant 0 : i32
    %dma_start3A_8 = tpu.memref_slice %arg3[%dma_start3A_6, %dma_start3A_7] : memref<100000x384xf32, #tpu.memory_space<hbm>> -> memref<100000x384xf32, #tpu.memory_space<hbm>>
    tpu.enqueue_indirect_dma source(%dma_start3A_8 : memref<100000x384xf32, #tpu.memory_space<hbm>>) target(%arg6 : memref<64x384xf32, #tpu.memory_space<vmem>>) offsets(%dma_start3A_5 : memref<64xi32, #tpu.memory_space<vmem>>) semaphore(%arg10 : memref<!tpu.dma_semaphore, #tpu.memory_space<semaphore_mem>>)
    %dma_start3A_9 = arith.constant 1 : i32
    %dma_start3A_10 = arith.constant 0 : i32
    %dma_start3A_11 = tpu.memref_slice %arg5[%dma_start3A_9, %dma_start3A_10] : memref<64x64xi32, #tpu.memory_space<vmem>> -> memref<1x64xi32, #tpu.memory_space<vmem>>
    %dma_start3A_12 = tpu.memref_squeeze %dma_start3A_11 : memref<1x64xi32, #tpu.memory_space<vmem>> -> memref<64xi32, #tpu.memory_space<vmem>>
    %dma_start3A_13 = arith.constant 0 : i32
    %dma_start3A_14 = arith.constant 0 : i32
    %dma_start3A_15 = tpu.memref_slice %arg3[%dma_start3A_13, %dma_start3A_14] : memref<100000x384xf32, #tpu.memory_space<hbm>> -> memref<100000x384xf32, #tpu.memory_space<hbm>>
    tpu.enqueue_indirect_dma source(%dma_start3A_15 : memref<100000x384xf32, #tpu.memory_space<hbm>>) target(%arg7 : memref<64x384xf32, #tpu.memory_space<vmem>>) offsets(%dma_start3A_12 : memref<64xi32, #tpu.memory_space<vmem>>) semaphore(%arg11 : memref<!tpu.dma_semaphore, #tpu.memory_space<semaphore_mem>>)
    %scan3A = arith.constant 0 : i32
    %scan3A_16 = arith.constant 0 : i32
    %scan3A_17 = arith.constant 32 : i32
    %scan3A_18 = arith.addi %scan3A_16, %scan3A_17 : i32
    %scan3A_19 = arith.constant 1 : i32
    scf.for %scan3A_32 = %scan3A_16 to %scan3A_18 step %scan3A_19  : i32 {
      %mul3A_33 = arith.constant 2 : i32
      %mul3A_34 = arith.muli %scan3A_32, %mul3A_33 : i32
      %add3A_35 = arith.constant 0 : i32
      %add3A_36 = arith.addi %mul3A_34, %add3A_35 : i32
      %dma_wait3A_37 = arith.constant 0 : i32
      %dma_wait3A_38 = arith.constant 0 : i32
      %dma_wait3A_39 = tpu.memref_slice %arg5[%dma_wait3A_37, %dma_wait3A_38] : memref<64x64xi32, #tpu.memory_space<vmem>> -> memref<1x64xi32, #tpu.memory_space<vmem>>
      %dma_wait3A_40 = tpu.memref_squeeze %dma_wait3A_39 : memref<1x64xi32, #tpu.memory_space<vmem>> -> memref<64xi32, #tpu.memory_space<vmem>>
      %dma_wait3A_41 = arith.constant 0 : i32
      %dma_wait3A_42 = arith.constant 0 : i32
      %dma_wait3A_43 = tpu.memref_slice %arg3[%dma_wait3A_41, %dma_wait3A_42] : memref<100000x384xf32, #tpu.memory_space<hbm>> -> memref<100000x384xf32, #tpu.memory_space<hbm>>
      tpu.wait_indirect_dma semaphore(%arg10 : memref<!tpu.dma_semaphore, #tpu.memory_space<semaphore_mem>>) src(%dma_wait3A_43 : memref<100000x384xf32, #tpu.memory_space<hbm>>) dst(%arg6 : memref<64x384xf32, #tpu.memory_space<vmem>>)
      %ge3A = arith.constant 2 : i32
      %ge3A_44 = arith.cmpi sge, %add3A_36, %ge3A : i32
      %convert_element_type3A = arith.extui %ge3A_44 : i1 to i32
      %cond3A = arith.constant 0 : i32
      %cond3A_45 = arith.cmpi ne, %convert_element_type3A, %cond3A : i32
      scf.if %cond3A_45 {
        %dma_wait3A_99 = arith.constant 0 : i32
        %dma_wait3A_100 = arith.constant 0 : i32
        %dma_wait3A_101 = tpu.memref_slice %arg4[%dma_wait3A_99, %dma_wait3A_100] : memref<131072x384xf32, #tpu.memory_space<hbm>> -> memref<64x384xf32, #tpu.memory_space<hbm>>
        %dma_wait3A_102 = arith.constant 0 : i32
        %dma_wait3A_103 = arith.constant 0 : i32
        %dma_wait3A_104 = tpu.memref_slice %arg4[%dma_wait3A_102, %dma_wait3A_103] : memref<131072x384xf32, #tpu.memory_space<hbm>> -> memref<64x384xf32, #tpu.memory_space<hbm>>
        tpu.wait_dma2 semaphore(%arg12 : memref<!tpu.dma_semaphore, #tpu.memory_space<semaphore_mem>>) src(%arg8 : memref<64x384xf32, #tpu.memory_space<vmem>>) dst(%dma_wait3A_104 : memref<64x384xf32, #tpu.memory_space<hbm>>)
      } else {
      }
      %scan3A_46 = arith.constant 0 : i32
      %scan3A_47 = arith.constant 0 : i32
      %scan3A_48 = arith.constant 64 : i32
      %scan3A_49 = arith.addi %scan3A_47, %scan3A_48 : i32
      %scan3A_50 = arith.constant 1 : i32
      scf.for %scan3A_99 = %scan3A_47 to %scan3A_49 step %scan3A_50  : i32 {
        %get3A = arith.index_cast %scan3A_99 : i32 to index
        %get3A_100 = arith.constant 0 : index
        %get3A_101 = tpu.vector_load %arg6[%get3A, %get3A_100] {strides = array<i32>} : memref<64x384xf32, #tpu.memory_space<vmem>>, vector<1x16xf32>,
        %get3A_102 = vector.shape_cast %get3A_101 : vector<1x16xf32> to vector<16xf32>
        %mul3A_103 = arith.constant 19.5959187 : f32
        %mul3A_104 = vector.broadcast %mul3A_103 : f32 to vector<16xf32>
        %mul3A_105 = arith.mulf %get3A_102, %mul3A_104 : vector<16xf32>
        %swap3A = arith.index_cast %scan3A_99 : i32 to index
        %swap3A_106 = arith.constant 0 : index
        %swap3A_107 = tpu.vector_load %arg8[%swap3A, %swap3A_106] {strides = array<i32>} : memref<64x384xf32, #tpu.memory_space<vmem>>, vector<1x16xf32>,
        %swap3A_108 = vector.shape_cast %swap3A_107 : vector<1x16xf32> to vector<16xf32>
        %swap3A_109 = vector.shape_cast %mul3A_105 : vector<16xf32> to vector<1x16xf32>
        tpu.vector_store %arg8[%swap3A, %swap3A_106], %swap3A_109 {strides = array<i32>} : memref<64x384xf32, #tpu.memory_space<vmem>>, vector<1x16xf32>,
        %get3A_110 = arith.index_cast %scan3A_99 : i32 to index
        %get3A_111 = arith.constant 16 : index
        %get3A_112 = tpu.vector_load %arg6[%get3A_110, %get3A_111] {strides = array<i32>} : memref<64x384xf32, #tpu.memory_space<vmem>>, vector<1x16xf32>,
        %get3A_113 = vector.shape_cast %get3A_112 : vector<1x16xf32> to vector<16xf32>
        %mul3A_114 = arith.constant 19.5959187 : f32
        %mul3A_115 = vector.broadcast %mul3A_114 : f32 to vector<16xf32>
        %mul3A_116 = arith.mulf %get3A_113, %mul3A_115 : vector<16xf32>
        %swap3A_117 = arith.index_cast %scan3A_99 : i32 to index
        %swap3A_118 = arith.constant 16 : index
        %swap3A_119 = tpu.vector_load %arg8[%swap3A_117, %swap3A_118] {strides = array<i32>} : memref<64x384xf32, #tpu.memory_space<vmem>>, vector<1x16xf32>,
        %swap3A_120 = vector.shape_cast %swap3A_119 : vector<1x16xf32> to vector<16xf32>
        %swap3A_121 = vector.shape_cast %mul3A_116 : vector<16xf32> to vector<1x16xf32>
        tpu.vector_store %arg8[%swap3A_117, %swap3A_118], %swap3A_121 {strides = array<i32>} : memref<64x384xf32, #tpu.memory_space<vmem>>, vector<1x16xf32>,
        %get3A_122 = arith.index_cast %scan3A_99 : i32 to index
        %get3A_123 = arith.constant 32 : index
        %get3A_124 = tpu.vector_load %arg6[%get3A_122, %get3A_123] {strides = array<i32>} : memref<64x384xf32, #tpu.memory_space<vmem>>, vector<1x16xf32>,
        %get3A_125 = vector.shape_cast %get3A_124 : vector<1x16xf32> to vector<16xf32>
        %mul3A_126 = arith.constant 19.5959187 : f32
        %mul3A_127 = vector.broadcast %mul3A_126 : f32 to vector<16xf32>
        %mul3A_128 = arith.mulf %get3A_125, %mul3A_127 : vector<16xf32>
        %swap3A_129 = arith.index_cast %scan3A_99 : i32 to index
        %swap3A_130 = arith.constant 32 : index
        %swap3A_131 = tpu.vector_load %arg8[%swap3A_129, %swap3A_130] {strides = array<i32>} : memref<64x384xf32, #tpu.memory_space<vmem>>, vector<1x16xf32>,
        %swap3A_132 = vector.shape_cast %swap3A_131 : vector<1x16xf32> to vector<16xf32>
        %swap3A_133 = vector.shape_cast %mul3A_128 : vector<16xf32> to vector<1x16xf32>
        tpu.vector_store %arg8[%swap3A_129, %swap3A_130], %swap3A_133 {strides = array<i32>} : memref<64x384xf32, #tpu.memory_space<vmem>>, vector<1x16xf32>,
        %get3A_134 = arith.index_cast %scan3A_99 : i32 to index
        %get3A_135 = arith.constant 48 : index
        %get3A_136 = tpu.vector_load %arg6[%get3A_134, %get3A_135] {strides = array<i32>} : memref<64x384xf32, #tpu.memory_space<vmem>>, vector<1x16xf32>,
        %get3A_137 = vector.shape_cast %get3A_136 : vector<1x16xf32> to vector<16xf32>
        %mul3A_138 = arith.constant 19.5959187 : f32
        %mul3A_139 = vector.broadcast %mul3A_138 : f32 to vector<16xf32>
        %mul3A_140 = arith.mulf %get3A_137, %mul3A_139 : vector<16xf32>
        %swap3A_141 = arith.index_cast %scan3A_99 : i32 to index
        %swap3A_142 = arith.constant 48 : index
        %swap3A_143 = tpu.vector_load %arg8[%swap3A_141, %swap3A_142] {strides = array<i32>} : memref<64x384xf32, #tpu.memory_space<vmem>>, vector<1x16xf32>,
        %swap3A_144 = vector.shape_cast %swap3A_143 : vector<1x16xf32> to vector<16xf32>
        %swap3A_145 = vector.shape_cast %mul3A_140 : vector<16xf32> to vector<1x16xf32>
        tpu.vector_store %arg8[%swap3A_141, %swap3A_142], %swap3A_145 {strides = array<i32>} : memref<64x384xf32, #tpu.memory_space<vmem>>, vector<1x16xf32>,
        %get3A_146 = arith.index_cast %scan3A_99 : i32 to index
        %get3A_147 = arith.constant 64 : index
        %get3A_148 = tpu.vector_load %arg6[%get3A_146, %get3A_147] {strides = array<i32>} : memref<64x384xf32, #tpu.memory_space<vmem>>, vector<1x16xf32>,
        %get3A_149 = vector.shape_cast %get3A_148 : vector<1x16xf32> to vector<16xf32>
        %mul3A_150 = arith.constant 19.5959187 : f32
        %mul3A_151 = vector.broadcast %mul3A_150 : f32 to vector<16xf32>
        %mul3A_152 = arith.mulf %get3A_149, %mul3A_151 : vector<16xf32>
        %swap3A_153 = arith.index_cast %scan3A_99 : i32 to index
        %swap3A_154 = arith.constant 64 : index
        %swap3A_155 = tpu.vector_load %arg8[%swap3A_153, %swap3A_154] {strides = array<i32>} : memref<64x384xf32, #tpu.memory_space<vmem>>, vector<1x16xf32>,
        %swap3A_156 = vector.shape_cast %swap3A_155 : vector<1x16xf32> to vector<16xf32>
        %swap3A_157 = vector.shape_cast %mul3A_152 : vector<16xf32> to vector<1x16xf32>
        tpu.vector_store %arg8[%swap3A_153, %swap3A_154], %swap3A_157 {strides = array<i32>} : memref<64x384xf32, #tpu.memory_space<vmem>>, vector<1x16xf32>,
        %get3A_158 = arith.index_cast %scan3A_99 : i32 to index
        %get3A_159 = arith.constant 80 : index
        %get3A_160 = tpu.vector_load %arg6[%get3A_158, %get3A_159] {strides = array<i32>} : memref<64x384xf32, #tpu.memory_space<vmem>>, vector<1x16xf32>,
        %get3A_161 = vector.shape_cast %get3A_160 : vector<1x16xf32> to vector<16xf32>
        %mul3A_162 = arith.constant 19.5959187 : f32
        %mul3A_163 = vector.broadcast %mul3A_162 : f32 to vector<16xf32>
        %mul3A_164 = arith.mulf %get3A_161, %mul3A_163 : vector<16xf32>
        %swap3A_165 = arith.index_cast %scan3A_99 : i32 to index
        %swap3A_166 = arith.constant 80 : index
        %swap3A_167 = tpu.vector_load %arg8[%swap3A_165, %swap3A_166] {strides = array<i32>} : memref<64x384xf32, #tpu.memory_space<vmem>>, vector<1x16xf32>,
        %swap3A_168 = vector.shape_cast %swap3A_167 : vector<1x16xf32> to vector<16xf32>
        %swap3A_169 = vector.shape_cast %mul3A_164 : vector<16xf32> to vector<1x16xf32>
        tpu.vector_store %arg8[%swap3A_165, %swap3A_166], %swap3A_169 {strides = array<i32>} : memref<64x384xf32, #tpu.memory_space<vmem>>, vector<1x16xf32>,
        %get3A_170 = arith.index_cast %scan3A_99 : i32 to index
        %get3A_171 = arith.constant 96 : index
        %get3A_172 = tpu.vector_load %arg6[%get3A_170, %get3A_171] {strides = array<i32>} : memref<64x384xf32, #tpu.memory_space<vmem>>, vector<1x16xf32>,
        %get3A_173 = vector.shape_cast %get3A_172 : vector<1x16xf32> to vector<16xf32>
        %mul3A_174 = arith.constant 19.5959187 : f32
        %mul3A_175 = vector.broadcast %mul3A_174 : f32 to vector<16xf32>
        %mul3A_176 = arith.mulf %get3A_173, %mul3A_175 : vector<16xf32>
        %swap3A_177 = arith.index_cast %scan3A_99 : i32 to index
        %swap3A_178 = arith.constant 96 : index
        %swap3A_179 = tpu.vector_load %arg8[%swap3A_177, %swap3A_178] {strides = array<i32>} : memref<64x384xf32, #tpu.memory_space<vmem>>, vector<1x16xf32>,
        %swap3A_180 = vector.shape_cast %swap3A_179 : vector<1x16xf32> to vector<16xf32>
        %swap3A_181 = vector.shape_cast %mul3A_176 : vector<16xf32> to vector<1x16xf32>
        tpu.vector_store %arg8[%swap3A_177, %swap3A_178], %swap3A_181 {strides = array<i32>} : memref<64x384xf32, #tpu.memory_space<vmem>>, vector<1x16xf32>,
        %get3A_182 = arith.index_cast %scan3A_99 : i32 to index
        %get3A_183 = arith.constant 112 : index
        %get3A_184 = tpu.vector_load %arg6[%get3A_182, %get3A_183] {strides = array<i32>} : memref<64x384xf32, #tpu.memory_space<vmem>>, vector<1x16xf32>,
        %get3A_185 = vector.shape_cast %get3A_184 : vector<1x16xf32> to vector<16xf32>
        %mul3A_186 = arith.constant 19.5959187 : f32
        %mul3A_187 = vector.broadcast %mul3A_186 : f32 to vector<16xf32>
        %mul3A_188 = arith.mulf %get3A_185, %mul3A_187 : vector<16xf32>
        %swap3A_189 = arith.index_cast %scan3A_99 : i32 to index
        %swap3A_190 = arith.constant 112 : index
        %swap3A_191 = tpu.vector_load %arg8[%swap3A_189, %swap3A_190] {strides = array<i32>} : memref<64x384xf32, #tpu.memory_space<vmem>>, vector<1x16xf32>,
        %swap3A_192 = vector.shape_cast %swap3A_191 : vector<1x16xf32> to vector<16xf32>
        %swap3A_193 = vector.shape_cast %mul3A_188 : vector<16xf32> to vector<1x16xf32>
        tpu.vector_store %arg8[%swap3A_189, %swap3A_190], %swap3A_193 {strides = array<i32>} : memref<64x384xf32, #tpu.memory_space<vmem>>, vector<1x16xf32>,
        %get3A_194 = arith.index_cast %scan3A_99 : i32 to index
        %get3A_195 = arith.constant 128 : index
        %get3A_196 = tpu.vector_load %arg6[%get3A_194, %get3A_195] {strides = array<i32>} : memref<64x384xf32, #tpu.memory_space<vmem>>, vector<1x16xf32>,
        %get3A_197 = vector.shape_cast %get3A_196 : vector<1x16xf32> to vector<16xf32>
        %mul3A_198 = arith.constant 19.5959187 : f32
        %mul3A_199 = vector.broadcast %mul3A_198 : f32 to vector<16xf32>
        %mul3A_200 = arith.mulf %get3A_197, %mul3A_199 : vector<16xf32>
        %swap3A_201 = arith.index_cast %scan3A_99 : i32 to index
        %swap3A_202 = arith.constant 128 : index
        %swap3A_203 = tpu.vector_load %arg8[%swap3A_201, %swap3A_202] {strides = array<i32>} : memref<64x384xf32, #tpu.memory_space<vmem>>, vector<1x16xf32>,
        %swap3A_204 = vector.shape_cast %swap3A_203 : vector<1x16xf32> to vector<16xf32>
        %swap3A_205 = vector.shape_cast %mul3A_200 : vector<16xf32> to vector<1x16xf32>
        tpu.vector_store %arg8[%swap3A_201, %swap3A_202], %swap3A_205 {strides = array<i32>} : memref<64x384xf32, #tpu.memory_space<vmem>>, vector<1x16xf32>,
        %get3A_206 = arith.index_cast %scan3A_99 : i32 to index
        %get3A_207 = arith.constant 144 : index
        %get3A_208 = tpu.vector_load %arg6[%get3A_206, %get3A_207] {strides = array<i32>} : memref<64x384xf32, #tpu.memory_space<vmem>>, vector<1x16xf32>,
        %get3A_209 = vector.shape_cast %get3A_208 : vector<1x16xf32> to vector<16xf32>
        %mul3A_210 = arith.constant 19.5959187 : f32
        %mul3A_211 = vector.broadcast %mul3A_210 : f32 to vector<16xf32>
        %mul3A_212 = arith.mulf %get3A_209, %mul3A_211 : vector<16xf32>
        %swap3A_213 = arith.index_cast %scan3A_99 : i32 to index
        %swap3A_214 = arith.constant 144 : index
        %swap3A_215 = tpu.vector_load %arg8[%swap3A_213, %swap3A_214] {strides = array<i32>} : memref<64x384xf32, #tpu.memory_space<vmem>>, vector<1x16xf32>,
        %swap3A_216 = vector.shape_cast %swap3A_215 : vector<1x16xf32> to vector<16xf32>
        %swap3A_217 = vector.shape_cast %mul3A_212 : vector<16xf32> to vector<1x16xf32>
        tpu.vector_store %arg8[%swap3A_213, %swap3A_214], %swap3A_217 {strides = array<i32>} : memref<64x384xf32, #tpu.memory_space<vmem>>, vector<1x16xf32>,
        %get3A_218 = arith.index_cast %scan3A_99 : i32 to index
        %get3A_219 = arith.constant 160 : index
        %get3A_220 = tpu.vector_load %arg6[%get3A_218, %get3A_219] {strides = array<i32>} : memref<64x384xf32, #tpu.memory_space<vmem>>, vector<1x16xf32>,
        %get3A_221 = vector.shape_cast %get3A_220 : vector<1x16xf32> to vector<16xf32>
        %mul3A_222 = arith.constant 19.5959187 : f32
        %mul3A_223 = vector.broadcast %mul3A_222 : f32 to vector<16xf32>
        %mul3A_224 = arith.mulf %get3A_221, %mul3A_223 : vector<16xf32>
        %swap3A_225 = arith.index_cast %scan3A_99 : i32 to index
        %swap3A_226 = arith.constant 160 : index
        %swap3A_227 = tpu.vector_load %arg8[%swap3A_225, %swap3A_226] {strides = array<i32>} : memref<64x384xf32, #tpu.memory_space<vmem>>, vector<1x16xf32>,
        %swap3A_228 = vector.shape_cast %swap3A_227 : vector<1x16xf32> to vector<16xf32>
        %swap3A_229 = vector.shape_cast %mul3A_224 : vector<16xf32> to vector<1x16xf32>
        tpu.vector_store %arg8[%swap3A_225, %swap3A_226], %swap3A_229 {strides = array<i32>} : memref<64x384xf32, #tpu.memory_space<vmem>>, vector<1x16xf32>,
        %get3A_230 = arith.index_cast %scan3A_99 : i32 to index
        %get3A_231 = arith.constant 176 : index
        %get3A_232 = tpu.vector_load %arg6[%get3A_230, %get3A_231] {strides = array<i32>} : memref<64x384xf32, #tpu.memory_space<vmem>>, vector<1x16xf32>,
        %get3A_233 = vector.shape_cast %get3A_232 : vector<1x16xf32> to vector<16xf32>
        %mul3A_234 = arith.constant 19.5959187 : f32
        %mul3A_235 = vector.broadcast %mul3A_234 : f32 to vector<16xf32>
        %mul3A_236 = arith.mulf %get3A_233, %mul3A_235 : vector<16xf32>
        %swap3A_237 = arith.index_cast %scan3A_99 : i32 to index
        %swap3A_238 = arith.constant 176 : index
        %swap3A_239 = tpu.vector_load %arg8[%swap3A_237, %swap3A_238] {strides = array<i32>} : memref<64x384xf32, #tpu.memory_space<vmem>>, vector<1x16xf32>,
        %swap3A_240 = vector.shape_cast %swap3A_239 : vector<1x16xf32> to vector<16xf32>
        %swap3A_241 = vector.shape_cast %mul3A_236 : vector<16xf32> to vector<1x16xf32>
        tpu.vector_store %arg8[%swap3A_237, %swap3A_238], %swap3A_241 {strides = array<i32>} : memref<64x384xf32, #tpu.memory_space<vmem>>, vector<1x16xf32>,
        %get3A_242 = arith.index_cast %scan3A_99 : i32 to index
        %get3A_243 = arith.constant 192 : index
        %get3A_244 = tpu.vector_load %arg6[%get3A_242, %get3A_243] {strides = array<i32>} : memref<64x384xf32, #tpu.memory_space<vmem>>, vector<1x16xf32>,
        %get3A_245 = vector.shape_cast %get3A_244 : vector<1x16xf32> to vector<16xf32>
        %mul3A_246 = arith.constant 19.5959187 : f32
        %mul3A_247 = vector.broadcast %mul3A_246 : f32 to vector<16xf32>
        %mul3A_248 = arith.mulf %get3A_245, %mul3A_247 : vector<16xf32>
        %swap3A_249 = arith.index_cast %scan3A_99 : i32 to index
        %swap3A_250 = arith.constant 192 : index
        %swap3A_251 = tpu.vector_load %arg8[%swap3A_249, %swap3A_250] {strides = array<i32>} : memref<64x384xf32, #tpu.memory_space<vmem>>, vector<1x16xf32>,
        %swap3A_252 = vector.shape_cast %swap3A_251 : vector<1x16xf32> to vector<16xf32>
        %swap3A_253 = vector.shape_cast %mul3A_248 : vector<16xf32> to vector<1x16xf32>
        tpu.vector_store %arg8[%swap3A_249, %swap3A_250], %swap3A_253 {strides = array<i32>} : memref<64x384xf32, #tpu.memory_space<vmem>>, vector<1x16xf32>,
        %get3A_254 = arith.index_cast %scan3A_99 : i32 to index
        %get3A_255 = arith.constant 208 : index
        %get3A_256 = tpu.vector_load %arg6[%get3A_254, %get3A_255] {strides = array<i32>} : memref<64x384xf32, #tpu.memory_space<vmem>>, vector<1x16xf32>,
        %get3A_257 = vector.shape_cast %get3A_256 : vector<1x16xf32> to vector<16xf32>
        %mul3A_258 = arith.constant 19.5959187 : f32
        %mul3A_259 = vector.broadcast %mul3A_258 : f32 to vector<16xf32>
        %mul3A_260 = arith.mulf %get3A_257, %mul3A_259 : vector<16xf32>
        %swap3A_261 = arith.index_cast %scan3A_99 : i32 to index
        %swap3A_262 = arith.constant 208 : index
        %swap3A_263 = tpu.vector_load %arg8[%swap3A_261, %swap3A_262] {strides = array<i32>} : memref<64x384xf32, #tpu.memory_space<vmem>>, vector<1x16xf32>,
        %swap3A_264 = vector.shape_cast %swap3A_263 : vector<1x16xf32> to vector<16xf32>
        %swap3A_265 = vector.shape_cast %mul3A_260 : vector<16xf32> to vector<1x16xf32>
        tpu.vector_store %arg8[%swap3A_261, %swap3A_262], %swap3A_265 {strides = array<i32>} : memref<64x384xf32, #tpu.memory_space<vmem>>, vector<1x16xf32>,
        %get3A_266 = arith.index_cast %scan3A_99 : i32 to index
        %get3A_267 = arith.constant 224 : index
        %get3A_268 = tpu.vector_load %arg6[%get3A_266, %get3A_267] {strides = array<i32>} : memref<64x384xf32, #tpu.memory_space<vmem>>, vector<1x16xf32>,
        %get3A_269 = vector.shape_cast %get3A_268 : vector<1x16xf32> to vector<16xf32>
        %mul3A_270 = arith.constant 19.5959187 : f32
        %mul3A_271 = vector.broadcast %mul3A_270 : f32 to vector<16xf32>
        %mul3A_272 = arith.mulf %get3A_269, %mul3A_271 : vector<16xf32>
        %swap3A_273 = arith.index_cast %scan3A_99 : i32 to index
        %swap3A_274 = arith.constant 224 : index
        %swap3A_275 = tpu.vector_load %arg8[%swap3A_273, %swap3A_274] {strides = array<i32>} : memref<64x384xf32, #tpu.memory_space<vmem>>, vector<1x16xf32>,
        %swap3A_276 = vector.shape_cast %swap3A_275 : vector<1x16xf32> to vector<16xf32>
        %swap3A_277 = vector.shape_cast %mul3A_272 : vector<16xf32> to vector<1x16xf32>
        tpu.vector_store %arg8[%swap3A_273, %swap3A_274], %swap3A_277 {strides = array<i32>} : memref<64x384xf32, #tpu.memory_space<vmem>>, vector<1x16xf32>,
        %get3A_278 = arith.index_cast %scan3A_99 : i32 to index
        %get3A_279 = arith.constant 240 : index
        %get3A_280 = tpu.vector_load %arg6[%get3A_278, %get3A_279] {strides = array<i32>} : memref<64x384xf32, #tpu.memory_space<vmem>>, vector<1x16xf32>,
        %get3A_281 = vector.shape_cast %get3A_280 : vector<1x16xf32> to vector<16xf32>
        %mul3A_282 = arith.constant 19.5959187 : f32
        %mul3A_283 = vector.broadcast %mul3A_282 : f32 to vector<16xf32>
        %mul3A_284 = arith.mulf %get3A_281, %mul3A_283 : vector<16xf32>
        %swap3A_285 = arith.index_cast %scan3A_99 : i32 to index
        %swap3A_286 = arith.constant 240 : index
        %swap3A_287 = tpu.vector_load %arg8[%swap3A_285, %swap3A_286] {strides = array<i32>} : memref<64x384xf32, #tpu.memory_space<vmem>>, vector<1x16xf32>,
        %swap3A_288 = vector.shape_cast %swap3A_287 : vector<1x16xf32> to vector<16xf32>
        %swap3A_289 = vector.shape_cast %mul3A_284 : vector<16xf32> to vector<1x16xf32>
        tpu.vector_store %arg8[%swap3A_285, %swap3A_286], %swap3A_289 {strides = array<i32>} : memref<64x384xf32, #tpu.memory_space<vmem>>, vector<1x16xf32>,
        %get3A_290 = arith.index_cast %scan3A_99 : i32 to index
        %get3A_291 = arith.constant 256 : index
        %get3A_292 = tpu.vector_load %arg6[%get3A_290, %get3A_291] {strides = array<i32>} : memref<64x384xf32, #tpu.memory_space<vmem>>, vector<1x16xf32>,
        %get3A_293 = vector.shape_cast %get3A_292 : vector<1x16xf32> to vector<16xf32>
        %mul3A_294 = arith.constant 19.5959187 : f32
        %mul3A_295 = vector.broadcast %mul3A_294 : f32 to vector<16xf32>
        %mul3A_296 = arith.mulf %get3A_293, %mul3A_295 : vector<16xf32>
        %swap3A_297 = arith.index_cast %scan3A_99 : i32 to index
        %swap3A_298 = arith.constant 256 : index
        %swap3A_299 = tpu.vector_load %arg8[%swap3A_297, %swap3A_298] {strides = array<i32>} : memref<64x384xf32, #tpu.memory_space<vmem>>, vector<1x16xf32>,
        %swap3A_300 = vector.shape_cast %swap3A_299 : vector<1x16xf32> to vector<16xf32>
        %swap3A_301 = vector.shape_cast %mul3A_296 : vector<16xf32> to vector<1x16xf32>
        tpu.vector_store %arg8[%swap3A_297, %swap3A_298], %swap3A_301 {strides = array<i32>} : memref<64x384xf32, #tpu.memory_space<vmem>>, vector<1x16xf32>,
        %get3A_302 = arith.index_cast %scan3A_99 : i32 to index
        %get3A_303 = arith.constant 272 : index
        %get3A_304 = tpu.vector_load %arg6[%get3A_302, %get3A_303] {strides = array<i32>} : memref<64x384xf32, #tpu.memory_space<vmem>>, vector<1x16xf32>,
        %get3A_305 = vector.shape_cast %get3A_304 : vector<1x16xf32> to vector<16xf32>
        %mul3A_306 = arith.constant 19.5959187 : f32
        %mul3A_307 = vector.broadcast %mul3A_306 : f32 to vector<16xf32>
        %mul3A_308 = arith.mulf %get3A_305, %mul3A_307 : vector<16xf32>
        %swap3A_309 = arith.index_cast %scan3A_99 : i32 to index
        %swap3A_310 = arith.constant 272 : index
        %swap3A_311 = tpu.vector_load %arg8[%swap3A_309, %swap3A_310] {strides = array<i32>} : memref<64x384xf32, #tpu.memory_space<vmem>>, vector<1x16xf32>,
        %swap3A_312 = vector.shape_cast %swap3A_311 : vector<1x16xf32> to vector<16xf32>
        %swap3A_313 = vector.shape_cast %mul3A_308 : vector<16xf32> to vector<1x16xf32>
        tpu.vector_store %arg8[%swap3A_309, %swap3A_310], %swap3A_313 {strides = array<i32>} : memref<64x384xf32, #tpu.memory_space<vmem>>, vector<1x16xf32>,
        %get3A_314 = arith.index_cast %scan3A_99 : i32 to index
        %get3A_315 = arith.constant 288 : index
        %get3A_316 = tpu.vector_load %arg6[%get3A_314, %get3A_315] {strides = array<i32>} : memref<64x384xf32, #tpu.memory_space<vmem>>, vector<1x16xf32>,
        %get3A_317 = vector.shape_cast %get3A_316 : vector<1x16xf32> to vector<16xf32>
        %mul3A_318 = arith.constant 19.5959187 : f32
        %mul3A_319 = vector.broadcast %mul3A_318 : f32 to vector<16xf32>
        %mul3A_320 = arith.mulf %get3A_317, %mul3A_319 : vector<16xf32>
        %swap3A_321 = arith.index_cast %scan3A_99 : i32 to index
        %swap3A_322 = arith.constant 288 : index
        %swap3A_323 = tpu.vector_load %arg8[%swap3A_321, %swap3A_322] {strides = array<i32>} : memref<64x384xf32, #tpu.memory_space<vmem>>, vector<1x16xf32>,
        %swap3A_324 = vector.shape_cast %swap3A_323 : vector<1x16xf32> to vector<16xf32>
        %swap3A_325 = vector.shape_cast %mul3A_320 : vector<16xf32> to vector<1x16xf32>
        tpu.vector_store %arg8[%swap3A_321, %swap3A_322], %swap3A_325 {strides = array<i32>} : memref<64x384xf32, #tpu.memory_space<vmem>>, vector<1x16xf32>,
        %get3A_326 = arith.index_cast %scan3A_99 : i32 to index
        %get3A_327 = arith.constant 304 : index
        %get3A_328 = tpu.vector_load %arg6[%get3A_326, %get3A_327] {strides = array<i32>} : memref<64x384xf32, #tpu.memory_space<vmem>>, vector<1x16xf32>,
        %get3A_329 = vector.shape_cast %get3A_328 : vector<1x16xf32> to vector<16xf32>
        %mul3A_330 = arith.constant 19.5959187 : f32
        %mul3A_331 = vector.broadcast %mul3A_330 : f32 to vector<16xf32>
        %mul3A_332 = arith.mulf %get3A_329, %mul3A_331 : vector<16xf32>
        %swap3A_333 = arith.index_cast %scan3A_99 : i32 to index
        %swap3A_334 = arith.constant 304 : index
        %swap3A_335 = tpu.vector_load %arg8[%swap3A_333, %swap3A_334] {strides = array<i32>} : memref<64x384xf32, #tpu.memory_space<vmem>>, vector<1x16xf32>,
        %swap3A_336 = vector.shape_cast %swap3A_335 : vector<1x16xf32> to vector<16xf32>
        %swap3A_337 = vector.shape_cast %mul3A_332 : vector<16xf32> to vector<1x16xf32>
        tpu.vector_store %arg8[%swap3A_333, %swap3A_334], %swap3A_337 {strides = array<i32>} : memref<64x384xf32, #tpu.memory_space<vmem>>, vector<1x16xf32>,
        %get3A_338 = arith.index_cast %scan3A_99 : i32 to index
        %get3A_339 = arith.constant 320 : index
        %get3A_340 = tpu.vector_load %arg6[%get3A_338, %get3A_339] {strides = array<i32>} : memref<64x384xf32, #tpu.memory_space<vmem>>, vector<1x16xf32>,
        %get3A_341 = vector.shape_cast %get3A_340 : vector<1x16xf32> to vector<16xf32>
        %mul3A_342 = arith.constant 19.5959187 : f32
        %mul3A_343 = vector.broadcast %mul3A_342 : f32 to vector<16xf32>
        %mul3A_344 = arith.mulf %get3A_341, %mul3A_343 : vector<16xf32>
        %swap3A_345 = arith.index_cast %scan3A_99 : i32 to index
        %swap3A_346 = arith.constant 320 : index
        %swap3A_347 = tpu.vector_load %arg8[%swap3A_345, %swap3A_346] {strides = array<i32>} : memref<64x384xf32, #tpu.memory_space<vmem>>, vector<1x16xf32>,
        %swap3A_348 = vector.shape_cast %swap3A_347 : vector<1x16xf32> to vector<16xf32>
        %swap3A_349 = vector.shape_cast %mul3A_344 : vector<16xf32> to vector<1x16xf32>
        tpu.vector_store %arg8[%swap3A_345, %swap3A_346], %swap3A_349 {strides = array<i32>} : memref<64x384xf32, #tpu.memory_space<vmem>>, vector<1x16xf32>,
        %get3A_350 = arith.index_cast %scan3A_99 : i32 to index
        %get3A_351 = arith.constant 336 : index
        %get3A_352 = tpu.vector_load %arg6[%get3A_350, %get3A_351] {strides = array<i32>} : memref<64x384xf32, #tpu.memory_space<vmem>>, vector<1x16xf32>,
        %get3A_353 = vector.shape_cast %get3A_352 : vector<1x16xf32> to vector<16xf32>
        %mul3A_354 = arith.constant 19.5959187 : f32
        %mul3A_355 = vector.broadcast %mul3A_354 : f32 to vector<16xf32>
        %mul3A_356 = arith.mulf %get3A_353, %mul3A_355 : vector<16xf32>
        %swap3A_357 = arith.index_cast %scan3A_99 : i32 to index
        %swap3A_358 = arith.constant 336 : index
        %swap3A_359 = tpu.vector_load %arg8[%swap3A_357, %swap3A_358] {strides = array<i32>} : memref<64x384xf32, #tpu.memory_space<vmem>>, vector<1x16xf32>,
        %swap3A_360 = vector.shape_cast %swap3A_359 : vector<1x16xf32> to vector<16xf32>
        %swap3A_361 = vector.shape_cast %mul3A_356 : vector<16xf32> to vector<1x16xf32>
        tpu.vector_store %arg8[%swap3A_357, %swap3A_358], %swap3A_361 {strides = array<i32>} : memref<64x384xf32, #tpu.memory_space<vmem>>, vector<1x16xf32>,
        %get3A_362 = arith.index_cast %scan3A_99 : i32 to index
        %get3A_363 = arith.constant 352 : index
        %get3A_364 = tpu.vector_load %arg6[%get3A_362, %get3A_363] {strides = array<i32>} : memref<64x384xf32, #tpu.memory_space<vmem>>, vector<1x16xf32>,
        %get3A_365 = vector.shape_cast %get3A_364 : vector<1x16xf32> to vector<16xf32>
        %mul3A_366 = arith.constant 19.5959187 : f32
        %mul3A_367 = vector.broadcast %mul3A_366 : f32 to vector<16xf32>
        %mul3A_368 = arith.mulf %get3A_365, %mul3A_367 : vector<16xf32>
        %swap3A_369 = arith.index_cast %scan3A_99 : i32 to index
        %swap3A_370 = arith.constant 352 : index
        %swap3A_371 = tpu.vector_load %arg8[%swap3A_369, %swap3A_370] {strides = array<i32>} : memref<64x384xf32, #tpu.memory_space<vmem>>, vector<1x16xf32>,
        %swap3A_372 = vector.shape_cast %swap3A_371 : vector<1x16xf32> to vector<16xf32>
        %swap3A_373 = vector.shape_cast %mul3A_368 : vector<16xf32> to vector<1x16xf32>
        tpu.vector_store %arg8[%swap3A_369, %swap3A_370], %swap3A_373 {strides = array<i32>} : memref<64x384xf32, #tpu.memory_space<vmem>>, vector<1x16xf32>,
        %get3A_374 = arith.index_cast %scan3A_99 : i32 to index
        %get3A_375 = arith.constant 368 : index
        %get3A_376 = tpu.vector_load %arg6[%get3A_374, %get3A_375] {strides = array<i32>} : memref<64x384xf32, #tpu.memory_space<vmem>>, vector<1x16xf32>,
        %get3A_377 = vector.shape_cast %get3A_376 : vector<1x16xf32> to vector<16xf32>
        %mul3A_378 = arith.constant 19.5959187 : f32
        %mul3A_379 = vector.broadcast %mul3A_378 : f32 to vector<16xf32>
        %mul3A_380 = arith.mulf %get3A_377, %mul3A_379 : vector<16xf32>
        %swap3A_381 = arith.index_cast %scan3A_99 : i32 to index
        %swap3A_382 = arith.constant 368 : index
        %swap3A_383 = tpu.vector_load %arg8[%swap3A_381, %swap3A_382] {strides = array<i32>} : memref<64x384xf32, #tpu.memory_space<vmem>>, vector<1x16xf32>,
        %swap3A_384 = vector.shape_cast %swap3A_383 : vector<1x16xf32> to vector<16xf32>
        %swap3A_385 = vector.shape_cast %mul3A_380 : vector<16xf32> to vector<1x16xf32>
        tpu.vector_store %arg8[%swap3A_381, %swap3A_382], %swap3A_385 {strides = array<i32>} : memref<64x384xf32, #tpu.memory_space<vmem>>, vector<1x16xf32>,
      }
      %scan3A_51 = arith.constant 64 : i32
      %add3A_52 = arith.constant 2 : i32
      %add3A_53 = arith.addi %add3A_36, %add3A_52 : i32
      %lt3A = arith.constant 64 : i32
      %lt3A_54 = arith.cmpi slt, %add3A_53, %lt3A : i32
      %convert_element_type3A_55 = arith.extui %lt3A_54 : i1 to i32
      %cond3A_56 = arith.constant 0 : i32
      %cond3A_57 = arith.cmpi ne, %convert_element_type3A_55, %cond3A_56 : i32
      scf.if %cond3A_57 {
        %add3A_99 = arith.constant 2 : i32
        %add3A_100 = arith.addi %add3A_36, %add3A_99 : i32
        %dma_start3A_101 = arith.constant 0 : i32
        %dma_start3A_102 = tpu.memref_slice %arg5[%add3A_100, %dma_start3A_101] : memref<64x64xi32, #tpu.memory_space<vmem>> -> memref<1x64xi32, #tpu.memory_space<vmem>>
        %dma_start3A_103 = tpu.memref_squeeze %dma_start3A_102 : memref<1x64xi32, #tpu.memory_space<vmem>> -> memref<64xi32, #tpu.memory_space<vmem>>
        %dma_start3A_104 = arith.constant 0 : i32
        %dma_start3A_105 = arith.constant 0 : i32
        %dma_start3A_106 = tpu.memref_slice %arg3[%dma_start3A_104, %dma_start3A_105] : memref<100000x384xf32, #tpu.memory_space<hbm>> -> memref<100000x384xf32, #tpu.memory_space<hbm>>
        tpu.enqueue_indirect_dma source(%dma_start3A_106 : memref<100000x384xf32, #tpu.memory_space<hbm>>) target(%arg6 : memref<64x384xf32, #tpu.memory_space<vmem>>) offsets(%dma_start3A_103 : memref<64xi32, #tpu.memory_space<vmem>>) semaphore(%arg10 : memref<!tpu.dma_semaphore, #tpu.memory_space<semaphore_mem>>)
      } else {
      }
      %mul3A_58 = arith.constant 64 : i32
      %mul3A_59 = arith.muli %add3A_36, %mul3A_58 : i32
      %add3A_60 = arith.addi %mul3A_2, %mul3A_59 : i32
      %dma_start3A_61 = arith.constant 0 : i32
      %dma_start3A_62 = tpu.memref_slice %arg4[%add3A_60, %dma_start3A_61] : memref<131072x384xf32, #tpu.memory_space<hbm>> -> memref<64x384xf32, #tpu.memory_space<hbm>>
      %dma_start3A_63 = arith.constant 0 : i32
      %dma_start3A_64 = tpu.memref_slice %arg4[%add3A_60, %dma_start3A_63] : memref<131072x384xf32, #tpu.memory_space<hbm>> -> memref<64x384xf32, #tpu.memory_space<hbm>>
      tpu.enqueue_dma source(%arg8 : memref<64x384xf32, #tpu.memory_space<vmem>>) target(%dma_start3A_64 : memref<64x384xf32, #tpu.memory_space<hbm>>) target_semaphore(%arg12 : memref<!tpu.dma_semaphore, #tpu.memory_space<semaphore_mem>>)
      %add3A_65 = arith.constant 1 : i32
      %add3A_66 = arith.addi %mul3A_34, %add3A_65 : i32
      %dma_wait3A_67 = arith.constant 0 : i32
      %dma_wait3A_68 = arith.constant 0 : i32
      %dma_wait3A_69 = tpu.memref_slice %arg5[%dma_wait3A_67, %dma_wait3A_68] : memref<64x64xi32, #tpu.memory_space<vmem>> -> memref<1x64xi32, #tpu.memory_space<vmem>>
      %dma_wait3A_70 = tpu.memref_squeeze %dma_wait3A_69 : memref<1x64xi32, #tpu.memory_space<vmem>> -> memref<64xi32, #tpu.memory_space<vmem>>
      %dma_wait3A_71 = arith.constant 0 : i32
      %dma_wait3A_72 = arith.constant 0 : i32
      %dma_wait3A_73 = tpu.memref_slice %arg3[%dma_wait3A_71, %dma_wait3A_72] : memref<100000x384xf32, #tpu.memory_space<hbm>> -> memref<100000x384xf32, #tpu.memory_space<hbm>>
      tpu.wait_indirect_dma semaphore(%arg11 : memref<!tpu.dma_semaphore, #tpu.memory_space<semaphore_mem>>) src(%dma_wait3A_73 : memref<100000x384xf32, #tpu.memory_space<hbm>>) dst(%arg7 : memref<64x384xf32, #tpu.memory_space<vmem>>)
      %ge3A_74 = arith.constant 2 : i32
      %ge3A_75 = arith.cmpi sge, %add3A_66, %ge3A_74 : i32
      %convert_element_type3A_76 = arith.extui %ge3A_75 : i1 to i32
      %cond3A_77 = arith.constant 0 : i32
      %cond3A_78 = arith.cmpi ne, %convert_element_type3A_76, %cond3A_77 : i32
      scf.if %cond3A_78 {
        %dma_wait3A_99 = arith.constant 0 : i32
        %dma_wait3A_100 = arith.constant 0 : i32
        %dma_wait3A_101 = tpu.memref_slice %arg4[%dma_wait3A_99, %dma_wait3A_100] : memref<131072x384xf32, #tpu.memory_space<hbm>> -> memref<64x384xf32, #tpu.memory_space<hbm>>
        %dma_wait3A_102 = arith.constant 0 : i32
        %dma_wait3A_103 = arith.constant 0 : i32
        %dma_wait3A_104 = tpu.memref_slice %arg4[%dma_wait3A_102, %dma_wait3A_103] : memref<131072x384xf32, #tpu.memory_space<hbm>> -> memref<64x384xf32, #tpu.memory_space<hbm>>
        tpu.wait_dma2 semaphore(%arg13 : memref<!tpu.dma_semaphore, #tpu.memory_space<semaphore_mem>>) src(%arg9 : memref<64x384xf32, #tpu.memory_space<vmem>>) dst(%dma_wait3A_104 : memref<64x384xf32, #tpu.memory_space<hbm>>)
      } else {
      }
      %scan3A_79 = arith.constant 0 : i32
      %scan3A_80 = arith.constant 0 : i32
      %scan3A_81 = arith.constant 64 : i32
      %scan3A_82 = arith.addi %scan3A_80, %scan3A_81 : i32
      %scan3A_83 = arith.constant 1 : i32
      scf.for %scan3A_99 = %scan3A_80 to %scan3A_82 step %scan3A_83  : i32 {
        %get3A = arith.index_cast %scan3A_99 : i32 to index
        %get3A_100 = arith.constant 0 : index
        %get3A_101 = tpu.vector_load %arg7[%get3A, %get3A_100] {strides = array<i32>} : memref<64x384xf32, #tpu.memory_space<vmem>>, vector<1x16xf32>,
        %get3A_102 = vector.shape_cast %get3A_101 : vector<1x16xf32> to vector<16xf32>
        %mul3A_103 = arith.constant 19.5959187 : f32
        %mul3A_104 = vector.broadcast %mul3A_103 : f32 to vector<16xf32>
        %mul3A_105 = arith.mulf %get3A_102, %mul3A_104 : vector<16xf32>
        %swap3A = arith.index_cast %scan3A_99 : i32 to index
        %swap3A_106 = arith.constant 0 : index
        %swap3A_107 = tpu.vector_load %arg9[%swap3A, %swap3A_106] {strides = array<i32>} : memref<64x384xf32, #tpu.memory_space<vmem>>, vector<1x16xf32>,
        %swap3A_108 = vector.shape_cast %swap3A_107 : vector<1x16xf32> to vector<16xf32>
        %swap3A_109 = vector.shape_cast %mul3A_105 : vector<16xf32> to vector<1x16xf32>
        tpu.vector_store %arg9[%swap3A, %swap3A_106], %swap3A_109 {strides = array<i32>} : memref<64x384xf32, #tpu.memory_space<vmem>>, vector<1x16xf32>,
        %get3A_110 = arith.index_cast %scan3A_99 : i32 to index
        %get3A_111 = arith.constant 16 : index
        %get3A_112 = tpu.vector_load %arg7[%get3A_110, %get3A_111] {strides = array<i32>} : memref<64x384xf32, #tpu.memory_space<vmem>>, vector<1x16xf32>,
        %get3A_113 = vector.shape_cast %get3A_112 : vector<1x16xf32> to vector<16xf32>
        %mul3A_114 = arith.constant 19.5959187 : f32
        %mul3A_115 = vector.broadcast %mul3A_114 : f32 to vector<16xf32>
        %mul3A_116 = arith.mulf %get3A_113, %mul3A_115 : vector<16xf32>
        %swap3A_117 = arith.index_cast %scan3A_99 : i32 to index
        %swap3A_118 = arith.constant 16 : index
        %swap3A_119 = tpu.vector_load %arg9[%swap3A_117, %swap3A_118] {strides = array<i32>} : memref<64x384xf32, #tpu.memory_space<vmem>>, vector<1x16xf32>,
        %swap3A_120 = vector.shape_cast %swap3A_119 : vector<1x16xf32> to vector<16xf32>
        %swap3A_121 = vector.shape_cast %mul3A_116 : vector<16xf32> to vector<1x16xf32>
        tpu.vector_store %arg9[%swap3A_117, %swap3A_118], %swap3A_121 {strides = array<i32>} : memref<64x384xf32, #tpu.memory_space<vmem>>, vector<1x16xf32>,
        %get3A_122 = arith.index_cast %scan3A_99 : i32 to index
        %get3A_123 = arith.constant 32 : index
        %get3A_124 = tpu.vector_load %arg7[%get3A_122, %get3A_123] {strides = array<i32>} : memref<64x384xf32, #tpu.memory_space<vmem>>, vector<1x16xf32>,
        %get3A_125 = vector.shape_cast %get3A_124 : vector<1x16xf32> to vector<16xf32>
        %mul3A_126 = arith.constant 19.5959187 : f32
        %mul3A_127 = vector.broadcast %mul3A_126 : f32 to vector<16xf32>
        %mul3A_128 = arith.mulf %get3A_125, %mul3A_127 : vector<16xf32>
        %swap3A_129 = arith.index_cast %scan3A_99 : i32 to index
        %swap3A_130 = arith.constant 32 : index
        %swap3A_131 = tpu.vector_load %arg9[%swap3A_129, %swap3A_130] {strides = array<i32>} : memref<64x384xf32, #tpu.memory_space<vmem>>, vector<1x16xf32>,
        %swap3A_132 = vector.shape_cast %swap3A_131 : vector<1x16xf32> to vector<16xf32>
        %swap3A_133 = vector.shape_cast %mul3A_128 : vector<16xf32> to vector<1x16xf32>
        tpu.vector_store %arg9[%swap3A_129, %swap3A_130], %swap3A_133 {strides = array<i32>} : memref<64x384xf32, #tpu.memory_space<vmem>>, vector<1x16xf32>,
        %get3A_134 = arith.index_cast %scan3A_99 : i32 to index
        %get3A_135 = arith.constant 48 : index
        %get3A_136 = tpu.vector_load %arg7[%get3A_134, %get3A_135] {strides = array<i32>} : memref<64x384xf32, #tpu.memory_space<vmem>>, vector<1x16xf32>,
        %get3A_137 = vector.shape_cast %get3A_136 : vector<1x16xf32> to vector<16xf32>
        %mul3A_138 = arith.constant 19.5959187 : f32
        %mul3A_139 = vector.broadcast %mul3A_138 : f32 to vector<16xf32>
        %mul3A_140 = arith.mulf %get3A_137, %mul3A_139 : vector<16xf32>
        %swap3A_141 = arith.index_cast %scan3A_99 : i32 to index
        %swap3A_142 = arith.constant 48 : index
        %swap3A_143 = tpu.vector_load %arg9[%swap3A_141, %swap3A_142] {strides = array<i32>} : memref<64x384xf32, #tpu.memory_space<vmem>>, vector<1x16xf32>,
        %swap3A_144 = vector.shape_cast %swap3A_143 : vector<1x16xf32> to vector<16xf32>
        %swap3A_145 = vector.shape_cast %mul3A_140 : vector<16xf32> to vector<1x16xf32>
        tpu.vector_store %arg9[%swap3A_141, %swap3A_142], %swap3A_145 {strides = array<i32>} : memref<64x384xf32, #tpu.memory_space<vmem>>, vector<1x16xf32>,
        %get3A_146 = arith.index_cast %scan3A_99 : i32 to index
        %get3A_147 = arith.constant 64 : index
        %get3A_148 = tpu.vector_load %arg7[%get3A_146, %get3A_147] {strides = array<i32>} : memref<64x384xf32, #tpu.memory_space<vmem>>, vector<1x16xf32>,
        %get3A_149 = vector.shape_cast %get3A_148 : vector<1x16xf32> to vector<16xf32>
        %mul3A_150 = arith.constant 19.5959187 : f32
        %mul3A_151 = vector.broadcast %mul3A_150 : f32 to vector<16xf32>
        %mul3A_152 = arith.mulf %get3A_149, %mul3A_151 : vector<16xf32>
        %swap3A_153 = arith.index_cast %scan3A_99 : i32 to index
        %swap3A_154 = arith.constant 64 : index
        %swap3A_155 = tpu.vector_load %arg9[%swap3A_153, %swap3A_154] {strides = array<i32>} : memref<64x384xf32, #tpu.memory_space<vmem>>, vector<1x16xf32>,
        %swap3A_156 = vector.shape_cast %swap3A_155 : vector<1x16xf32> to vector<16xf32>
        %swap3A_157 = vector.shape_cast %mul3A_152 : vector<16xf32> to vector<1x16xf32>
        tpu.vector_store %arg9[%swap3A_153, %swap3A_154], %swap3A_157 {strides = array<i32>} : memref<64x384xf32, #tpu.memory_space<vmem>>, vector<1x16xf32>,
        %get3A_158 = arith.index_cast %scan3A_99 : i32 to index
        %get3A_159 = arith.constant 80 : index
        %get3A_160 = tpu.vector_load %arg7[%get3A_158, %get3A_159] {strides = array<i32>} : memref<64x384xf32, #tpu.memory_space<vmem>>, vector<1x16xf32>,
        %get3A_161 = vector.shape_cast %get3A_160 : vector<1x16xf32> to vector<16xf32>
        %mul3A_162 = arith.constant 19.5959187 : f32
        %mul3A_163 = vector.broadcast %mul3A_162 : f32 to vector<16xf32>
        %mul3A_164 = arith.mulf %get3A_161, %mul3A_163 : vector<16xf32>
        %swap3A_165 = arith.index_cast %scan3A_99 : i32 to index
        %swap3A_166 = arith.constant 80 : index
        %swap3A_167 = tpu.vector_load %arg9[%swap3A_165, %swap3A_166] {strides = array<i32>} : memref<64x384xf32, #tpu.memory_space<vmem>>, vector<1x16xf32>,
        %swap3A_168 = vector.shape_cast %swap3A_167 : vector<1x16xf32> to vector<16xf32>
        %swap3A_169 = vector.shape_cast %mul3A_164 : vector<16xf32> to vector<1x16xf32>
        tpu.vector_store %arg9[%swap3A_165, %swap3A_166], %swap3A_169 {strides = array<i32>} : memref<64x384xf32, #tpu.memory_space<vmem>>, vector<1x16xf32>,
        %get3A_170 = arith.index_cast %scan3A_99 : i32 to index
        %get3A_171 = arith.constant 96 : index
        %get3A_172 = tpu.vector_load %arg7[%get3A_170, %get3A_171] {strides = array<i32>} : memref<64x384xf32, #tpu.memory_space<vmem>>, vector<1x16xf32>,
        %get3A_173 = vector.shape_cast %get3A_172 : vector<1x16xf32> to vector<16xf32>
        %mul3A_174 = arith.constant 19.5959187 : f32
        %mul3A_175 = vector.broadcast %mul3A_174 : f32 to vector<16xf32>
        %mul3A_176 = arith.mulf %get3A_173, %mul3A_175 : vector<16xf32>
        %swap3A_177 = arith.index_cast %scan3A_99 : i32 to index
        %swap3A_178 = arith.constant 96 : index
        %swap3A_179 = tpu.vector_load %arg9[%swap3A_177, %swap3A_178] {strides = array<i32>} : memref<64x384xf32, #tpu.memory_space<vmem>>, vector<1x16xf32>,
        %swap3A_180 = vector.shape_cast %swap3A_179 : vector<1x16xf32> to vector<16xf32>
        %swap3A_181 = vector.shape_cast %mul3A_176 : vector<16xf32> to vector<1x16xf32>
        tpu.vector_store %arg9[%swap3A_177, %swap3A_178], %swap3A_181 {strides = array<i32>} : memref<64x384xf32, #tpu.memory_space<vmem>>, vector<1x16xf32>,
        %get3A_182 = arith.index_cast %scan3A_99 : i32 to index
        %get3A_183 = arith.constant 112 : index
        %get3A_184 = tpu.vector_load %arg7[%get3A_182, %get3A_183] {strides = array<i32>} : memref<64x384xf32, #tpu.memory_space<vmem>>, vector<1x16xf32>,
        %get3A_185 = vector.shape_cast %get3A_184 : vector<1x16xf32> to vector<16xf32>
        %mul3A_186 = arith.constant 19.5959187 : f32
        %mul3A_187 = vector.broadcast %mul3A_186 : f32 to vector<16xf32>
        %mul3A_188 = arith.mulf %get3A_185, %mul3A_187 : vector<16xf32>
        %swap3A_189 = arith.index_cast %scan3A_99 : i32 to index
        %swap3A_190 = arith.constant 112 : index
        %swap3A_191 = tpu.vector_load %arg9[%swap3A_189, %swap3A_190] {strides = array<i32>} : memref<64x384xf32, #tpu.memory_space<vmem>>, vector<1x16xf32>,
        %swap3A_192 = vector.shape_cast %swap3A_191 : vector<1x16xf32> to vector<16xf32>
        %swap3A_193 = vector.shape_cast %mul3A_188 : vector<16xf32> to vector<1x16xf32>
        tpu.vector_store %arg9[%swap3A_189, %swap3A_190], %swap3A_193 {strides = array<i32>} : memref<64x384xf32, #tpu.memory_space<vmem>>, vector<1x16xf32>,
        %get3A_194 = arith.index_cast %scan3A_99 : i32 to index
        %get3A_195 = arith.constant 128 : index
        %get3A_196 = tpu.vector_load %arg7[%get3A_194, %get3A_195] {strides = array<i32>} : memref<64x384xf32, #tpu.memory_space<vmem>>, vector<1x16xf32>,
        %get3A_197 = vector.shape_cast %get3A_196 : vector<1x16xf32> to vector<16xf32>
        %mul3A_198 = arith.constant 19.5959187 : f32
        %mul3A_199 = vector.broadcast %mul3A_198 : f32 to vector<16xf32>
        %mul3A_200 = arith.mulf %get3A_197, %mul3A_199 : vector<16xf32>
        %swap3A_201 = arith.index_cast %scan3A_99 : i32 to index
        %swap3A_202 = arith.constant 128 : index
        %swap3A_203 = tpu.vector_load %arg9[%swap3A_201, %swap3A_202] {strides = array<i32>} : memref<64x384xf32, #tpu.memory_space<vmem>>, vector<1x16xf32>,
        %swap3A_204 = vector.shape_cast %swap3A_203 : vector<1x16xf32> to vector<16xf32>
        %swap3A_205 = vector.shape_cast %mul3A_200 : vector<16xf32> to vector<1x16xf32>
        tpu.vector_store %arg9[%swap3A_201, %swap3A_202], %swap3A_205 {strides = array<i32>} : memref<64x384xf32, #tpu.memory_space<vmem>>, vector<1x16xf32>,
        %get3A_206 = arith.index_cast %scan3A_99 : i32 to index
        %get3A_207 = arith.constant 144 : index
        %get3A_208 = tpu.vector_load %arg7[%get3A_206, %get3A_207] {strides = array<i32>} : memref<64x384xf32, #tpu.memory_space<vmem>>, vector<1x16xf32>,
        %get3A_209 = vector.shape_cast %get3A_208 : vector<1x16xf32> to vector<16xf32>
        %mul3A_210 = arith.constant 19.5959187 : f32
        %mul3A_211 = vector.broadcast %mul3A_210 : f32 to vector<16xf32>
        %mul3A_212 = arith.mulf %get3A_209, %mul3A_211 : vector<16xf32>
        %swap3A_213 = arith.index_cast %scan3A_99 : i32 to index
        %swap3A_214 = arith.constant 144 : index
        %swap3A_215 = tpu.vector_load %arg9[%swap3A_213, %swap3A_214] {strides = array<i32>} : memref<64x384xf32, #tpu.memory_space<vmem>>, vector<1x16xf32>,
        %swap3A_216 = vector.shape_cast %swap3A_215 : vector<1x16xf32> to vector<16xf32>
        %swap3A_217 = vector.shape_cast %mul3A_212 : vector<16xf32> to vector<1x16xf32>
        tpu.vector_store %arg9[%swap3A_213, %swap3A_214], %swap3A_217 {strides = array<i32>} : memref<64x384xf32, #tpu.memory_space<vmem>>, vector<1x16xf32>,
        %get3A_218 = arith.index_cast %scan3A_99 : i32 to index
        %get3A_219 = arith.constant 160 : index
        %get3A_220 = tpu.vector_load %arg7[%get3A_218, %get3A_219] {strides = array<i32>} : memref<64x384xf32, #tpu.memory_space<vmem>>, vector<1x16xf32>,
        %get3A_221 = vector.shape_cast %get3A_220 : vector<1x16xf32> to vector<16xf32>
        %mul3A_222 = arith.constant 19.5959187 : f32
        %mul3A_223 = vector.broadcast %mul3A_222 : f32 to vector<16xf32>
        %mul3A_224 = arith.mulf %get3A_221, %mul3A_223 : vector<16xf32>
        %swap3A_225 = arith.index_cast %scan3A_99 : i32 to index
        %swap3A_226 = arith.constant 160 : index
        %swap3A_227 = tpu.vector_load %arg9[%swap3A_225, %swap3A_226] {strides = array<i32>} : memref<64x384xf32, #tpu.memory_space<vmem>>, vector<1x16xf32>,
        %swap3A_228 = vector.shape_cast %swap3A_227 : vector<1x16xf32> to vector<16xf32>
        %swap3A_229 = vector.shape_cast %mul3A_224 : vector<16xf32> to vector<1x16xf32>
        tpu.vector_store %arg9[%swap3A_225, %swap3A_226], %swap3A_229 {strides = array<i32>} : memref<64x384xf32, #tpu.memory_space<vmem>>, vector<1x16xf32>,
        %get3A_230 = arith.index_cast %scan3A_99 : i32 to index
        %get3A_231 = arith.constant 176 : index
        %get3A_232 = tpu.vector_load %arg7[%get3A_230, %get3A_231] {strides = array<i32>} : memref<64x384xf32, #tpu.memory_space<vmem>>, vector<1x16xf32>,
        %get3A_233 = vector.shape_cast %get3A_232 : vector<1x16xf32> to vector<16xf32>
        %mul3A_234 = arith.constant 19.5959187 : f32
        %mul3A_235 = vector.broadcast %mul3A_234 : f32 to vector<16xf32>
        %mul3A_236 = arith.mulf %get3A_233, %mul3A_235 : vector<16xf32>
        %swap3A_237 = arith.index_cast %scan3A_99 : i32 to index
        %swap3A_238 = arith.constant 176 : index
        %swap3A_239 = tpu.vector_load %arg9[%swap3A_237, %swap3A_238] {strides = array<i32>} : memref<64x384xf32, #tpu.memory_space<vmem>>, vector<1x16xf32>,
        %swap3A_240 = vector.shape_cast %swap3A_239 : vector<1x16xf32> to vector<16xf32>
        %swap3A_241 = vector.shape_cast %mul3A_236 : vector<16xf32> to vector<1x16xf32>
        tpu.vector_store %arg9[%swap3A_237, %swap3A_238], %swap3A_241 {strides = array<i32>} : memref<64x384xf32, #tpu.memory_space<vmem>>, vector<1x16xf32>,
        %get3A_242 = arith.index_cast %scan3A_99 : i32 to index
        %get3A_243 = arith.constant 192 : index
        %get3A_244 = tpu.vector_load %arg7[%get3A_242, %get3A_243] {strides = array<i32>} : memref<64x384xf32, #tpu.memory_space<vmem>>, vector<1x16xf32>,
        %get3A_245 = vector.shape_cast %get3A_244 : vector<1x16xf32> to vector<16xf32>
        %mul3A_246 = arith.constant 19.5959187 : f32
        %mul3A_247 = vector.broadcast %mul3A_246 : f32 to vector<16xf32>
        %mul3A_248 = arith.mulf %get3A_245, %mul3A_247 : vector<16xf32>
        %swap3A_249 = arith.index_cast %scan3A_99 : i32 to index
        %swap3A_250 = arith.constant 192 : index
        %swap3A_251 = tpu.vector_load %arg9[%swap3A_249, %swap3A_250] {strides = array<i32>} : memref<64x384xf32, #tpu.memory_space<vmem>>, vector<1x16xf32>,
        %swap3A_252 = vector.shape_cast %swap3A_251 : vector<1x16xf32> to vector<16xf32>
        %swap3A_253 = vector.shape_cast %mul3A_248 : vector<16xf32> to vector<1x16xf32>
        tpu.vector_store %arg9[%swap3A_249, %swap3A_250], %swap3A_253 {strides = array<i32>} : memref<64x384xf32, #tpu.memory_space<vmem>>, vector<1x16xf32>,
        %get3A_254 = arith.index_cast %scan3A_99 : i32 to index
        %get3A_255 = arith.constant 208 : index
        %get3A_256 = tpu.vector_load %arg7[%get3A_254, %get3A_255] {strides = array<i32>} : memref<64x384xf32, #tpu.memory_space<vmem>>, vector<1x16xf32>,
        %get3A_257 = vector.shape_cast %get3A_256 : vector<1x16xf32> to vector<16xf32>
        %mul3A_258 = arith.constant 19.5959187 : f32
        %mul3A_259 = vector.broadcast %mul3A_258 : f32 to vector<16xf32>
        %mul3A_260 = arith.mulf %get3A_257, %mul3A_259 : vector<16xf32>
        %swap3A_261 = arith.index_cast %scan3A_99 : i32 to index
        %swap3A_262 = arith.constant 208 : index
        %swap3A_263 = tpu.vector_load %arg9[%swap3A_261, %swap3A_262] {strides = array<i32>} : memref<64x384xf32, #tpu.memory_space<vmem>>, vector<1x16xf32>,
        %swap3A_264 = vector.shape_cast %swap3A_263 : vector<1x16xf32> to vector<16xf32>
        %swap3A_265 = vector.shape_cast %mul3A_260 : vector<16xf32> to vector<1x16xf32>
        tpu.vector_store %arg9[%swap3A_261, %swap3A_262], %swap3A_265 {strides = array<i32>} : memref<64x384xf32, #tpu.memory_space<vmem>>, vector<1x16xf32>,
        %get3A_266 = arith.index_cast %scan3A_99 : i32 to index
        %get3A_267 = arith.constant 224 : index
        %get3A_268 = tpu.vector_load %arg7[%get3A_266, %get3A_267] {strides = array<i32>} : memref<64x384xf32, #tpu.memory_space<vmem>>, vector<1x16xf32>,
        %get3A_269 = vector.shape_cast %get3A_268 : vector<1x16xf32> to vector<16xf32>
        %mul3A_270 = arith.constant 19.5959187 : f32
        %mul3A_271 = vector.broadcast %mul3A_270 : f32 to vector<16xf32>
        %mul3A_272 = arith.mulf %get3A_269, %mul3A_271 : vector<16xf32>
        %swap3A_273 = arith.index_cast %scan3A_99 : i32 to index
        %swap3A_274 = arith.constant 224 : index
        %swap3A_275 = tpu.vector_load %arg9[%swap3A_273, %swap3A_274] {strides = array<i32>} : memref<64x384xf32, #tpu.memory_space<vmem>>, vector<1x16xf32>,
        %swap3A_276 = vector.shape_cast %swap3A_275 : vector<1x16xf32> to vector<16xf32>
        %swap3A_277 = vector.shape_cast %mul3A_272 : vector<16xf32> to vector<1x16xf32>
        tpu.vector_store %arg9[%swap3A_273, %swap3A_274], %swap3A_277 {strides = array<i32>} : memref<64x384xf32, #tpu.memory_space<vmem>>, vector<1x16xf32>,
        %get3A_278 = arith.index_cast %scan3A_99 : i32 to index
        %get3A_279 = arith.constant 240 : index
        %get3A_280 = tpu.vector_load %arg7[%get3A_278, %get3A_279] {strides = array<i32>} : memref<64x384xf32, #tpu.memory_space<vmem>>, vector<1x16xf32>,
        %get3A_281 = vector.shape_cast %get3A_280 : vector<1x16xf32> to vector<16xf32>
        %mul3A_282 = arith.constant 19.5959187 : f32
        %mul3A_283 = vector.broadcast %mul3A_282 : f32 to vector<16xf32>
        %mul3A_284 = arith.mulf %get3A_281, %mul3A_283 : vector<16xf32>
        %swap3A_285 = arith.index_cast %scan3A_99 : i32 to index
        %swap3A_286 = arith.constant 240 : index
        %swap3A_287 = tpu.vector_load %arg9[%swap3A_285, %swap3A_286] {strides = array<i32>} : memref<64x384xf32, #tpu.memory_space<vmem>>, vector<1x16xf32>,
        %swap3A_288 = vector.shape_cast %swap3A_287 : vector<1x16xf32> to vector<16xf32>
        %swap3A_289 = vector.shape_cast %mul3A_284 : vector<16xf32> to vector<1x16xf32>
        tpu.vector_store %arg9[%swap3A_285, %swap3A_286], %swap3A_289 {strides = array<i32>} : memref<64x384xf32, #tpu.memory_space<vmem>>, vector<1x16xf32>,
        %get3A_290 = arith.index_cast %scan3A_99 : i32 to index
        %get3A_291 = arith.constant 256 : index
        %get3A_292 = tpu.vector_load %arg7[%get3A_290, %get3A_291] {strides = array<i32>} : memref<64x384xf32, #tpu.memory_space<vmem>>, vector<1x16xf32>,
        %get3A_293 = vector.shape_cast %get3A_292 : vector<1x16xf32> to vector<16xf32>
        %mul3A_294 = arith.constant 19.5959187 : f32
        %mul3A_295 = vector.broadcast %mul3A_294 : f32 to vector<16xf32>
        %mul3A_296 = arith.mulf %get3A_293, %mul3A_295 : vector<16xf32>
        %swap3A_297 = arith.index_cast %scan3A_99 : i32 to index
        %swap3A_298 = arith.constant 256 : index
        %swap3A_299 = tpu.vector_load %arg9[%swap3A_297, %swap3A_298] {strides = array<i32>} : memref<64x384xf32, #tpu.memory_space<vmem>>, vector<1x16xf32>,
        %swap3A_300 = vector.shape_cast %swap3A_299 : vector<1x16xf32> to vector<16xf32>
        %swap3A_301 = vector.shape_cast %mul3A_296 : vector<16xf32> to vector<1x16xf32>
        tpu.vector_store %arg9[%swap3A_297, %swap3A_298], %swap3A_301 {strides = array<i32>} : memref<64x384xf32, #tpu.memory_space<vmem>>, vector<1x16xf32>,
        %get3A_302 = arith.index_cast %scan3A_99 : i32 to index
        %get3A_303 = arith.constant 272 : index
        %get3A_304 = tpu.vector_load %arg7[%get3A_302, %get3A_303] {strides = array<i32>} : memref<64x384xf32, #tpu.memory_space<vmem>>, vector<1x16xf32>,
        %get3A_305 = vector.shape_cast %get3A_304 : vector<1x16xf32> to vector<16xf32>
        %mul3A_306 = arith.constant 19.5959187 : f32
        %mul3A_307 = vector.broadcast %mul3A_306 : f32 to vector<16xf32>
        %mul3A_308 = arith.mulf %get3A_305, %mul3A_307 : vector<16xf32>
        %swap3A_309 = arith.index_cast %scan3A_99 : i32 to index
        %swap3A_310 = arith.constant 272 : index
        %swap3A_311 = tpu.vector_load %arg9[%swap3A_309, %swap3A_310] {strides = array<i32>} : memref<64x384xf32, #tpu.memory_space<vmem>>, vector<1x16xf32>,
        %swap3A_312 = vector.shape_cast %swap3A_311 : vector<1x16xf32> to vector<16xf32>
        %swap3A_313 = vector.shape_cast %mul3A_308 : vector<16xf32> to vector<1x16xf32>
        tpu.vector_store %arg9[%swap3A_309, %swap3A_310], %swap3A_313 {strides = array<i32>} : memref<64x384xf32, #tpu.memory_space<vmem>>, vector<1x16xf32>,
        %get3A_314 = arith.index_cast %scan3A_99 : i32 to index
        %get3A_315 = arith.constant 288 : index
        %get3A_316 = tpu.vector_load %arg7[%get3A_314, %get3A_315] {strides = array<i32>} : memref<64x384xf32, #tpu.memory_space<vmem>>, vector<1x16xf32>,
        %get3A_317 = vector.shape_cast %get3A_316 : vector<1x16xf32> to vector<16xf32>
        %mul3A_318 = arith.constant 19.5959187 : f32
        %mul3A_319 = vector.broadcast %mul3A_318 : f32 to vector<16xf32>
        %mul3A_320 = arith.mulf %get3A_317, %mul3A_319 : vector<16xf32>
        %swap3A_321 = arith.index_cast %scan3A_99 : i32 to index
        %swap3A_322 = arith.constant 288 : index
        %swap3A_323 = tpu.vector_load %arg9[%swap3A_321, %swap3A_322] {strides = array<i32>} : memref<64x384xf32, #tpu.memory_space<vmem>>, vector<1x16xf32>,
        %swap3A_324 = vector.shape_cast %swap3A_323 : vector<1x16xf32> to vector<16xf32>
        %swap3A_325 = vector.shape_cast %mul3A_320 : vector<16xf32> to vector<1x16xf32>
        tpu.vector_store %arg9[%swap3A_321, %swap3A_322], %swap3A_325 {strides = array<i32>} : memref<64x384xf32, #tpu.memory_space<vmem>>, vector<1x16xf32>,
        %get3A_326 = arith.index_cast %scan3A_99 : i32 to index
        %get3A_327 = arith.constant 304 : index
        %get3A_328 = tpu.vector_load %arg7[%get3A_326, %get3A_327] {strides = array<i32>} : memref<64x384xf32, #tpu.memory_space<vmem>>, vector<1x16xf32>,
        %get3A_329 = vector.shape_cast %get3A_328 : vector<1x16xf32> to vector<16xf32>
        %mul3A_330 = arith.constant 19.5959187 : f32
        %mul3A_331 = vector.broadcast %mul3A_330 : f32 to vector<16xf32>
        %mul3A_332 = arith.mulf %get3A_329, %mul3A_331 : vector<16xf32>
        %swap3A_333 = arith.index_cast %scan3A_99 : i32 to index
        %swap3A_334 = arith.constant 304 : index
        %swap3A_335 = tpu.vector_load %arg9[%swap3A_333, %swap3A_334] {strides = array<i32>} : memref<64x384xf32, #tpu.memory_space<vmem>>, vector<1x16xf32>,
        %swap3A_336 = vector.shape_cast %swap3A_335 : vector<1x16xf32> to vector<16xf32>
        %swap3A_337 = vector.shape_cast %mul3A_332 : vector<16xf32> to vector<1x16xf32>
        tpu.vector_store %arg9[%swap3A_333, %swap3A_334], %swap3A_337 {strides = array<i32>} : memref<64x384xf32, #tpu.memory_space<vmem>>, vector<1x16xf32>,
        %get3A_338 = arith.index_cast %scan3A_99 : i32 to index
        %get3A_339 = arith.constant 320 : index
        %get3A_340 = tpu.vector_load %arg7[%get3A_338, %get3A_339] {strides = array<i32>} : memref<64x384xf32, #tpu.memory_space<vmem>>, vector<1x16xf32>,
        %get3A_341 = vector.shape_cast %get3A_340 : vector<1x16xf32> to vector<16xf32>
        %mul3A_342 = arith.constant 19.5959187 : f32
        %mul3A_343 = vector.broadcast %mul3A_342 : f32 to vector<16xf32>
        %mul3A_344 = arith.mulf %get3A_341, %mul3A_343 : vector<16xf32>
        %swap3A_345 = arith.index_cast %scan3A_99 : i32 to index
        %swap3A_346 = arith.constant 320 : index
        %swap3A_347 = tpu.vector_load %arg9[%swap3A_345, %swap3A_346] {strides = array<i32>} : memref<64x384xf32, #tpu.memory_space<vmem>>, vector<1x16xf32>,
        %swap3A_348 = vector.shape_cast %swap3A_347 : vector<1x16xf32> to vector<16xf32>
        %swap3A_349 = vector.shape_cast %mul3A_344 : vector<16xf32> to vector<1x16xf32>
        tpu.vector_store %arg9[%swap3A_345, %swap3A_346], %swap3A_349 {strides = array<i32>} : memref<64x384xf32, #tpu.memory_space<vmem>>, vector<1x16xf32>,
        %get3A_350 = arith.index_cast %scan3A_99 : i32 to index
        %get3A_351 = arith.constant 336 : index
        %get3A_352 = tpu.vector_load %arg7[%get3A_350, %get3A_351] {strides = array<i32>} : memref<64x384xf32, #tpu.memory_space<vmem>>, vector<1x16xf32>,
        %get3A_353 = vector.shape_cast %get3A_352 : vector<1x16xf32> to vector<16xf32>
        %mul3A_354 = arith.constant 19.5959187 : f32
        %mul3A_355 = vector.broadcast %mul3A_354 : f32 to vector<16xf32>
        %mul3A_356 = arith.mulf %get3A_353, %mul3A_355 : vector<16xf32>
        %swap3A_357 = arith.index_cast %scan3A_99 : i32 to index
        %swap3A_358 = arith.constant 336 : index
        %swap3A_359 = tpu.vector_load %arg9[%swap3A_357, %swap3A_358] {strides = array<i32>} : memref<64x384xf32, #tpu.memory_space<vmem>>, vector<1x16xf32>,
        %swap3A_360 = vector.shape_cast %swap3A_359 : vector<1x16xf32> to vector<16xf32>
        %swap3A_361 = vector.shape_cast %mul3A_356 : vector<16xf32> to vector<1x16xf32>
        tpu.vector_store %arg9[%swap3A_357, %swap3A_358], %swap3A_361 {strides = array<i32>} : memref<64x384xf32, #tpu.memory_space<vmem>>, vector<1x16xf32>,
        %get3A_362 = arith.index_cast %scan3A_99 : i32 to index
        %get3A_363 = arith.constant 352 : index
        %get3A_364 = tpu.vector_load %arg7[%get3A_362, %get3A_363] {strides = array<i32>} : memref<64x384xf32, #tpu.memory_space<vmem>>, vector<1x16xf32>,
        %get3A_365 = vector.shape_cast %get3A_364 : vector<1x16xf32> to vector<16xf32>
        %mul3A_366 = arith.constant 19.5959187 : f32
        %mul3A_367 = vector.broadcast %mul3A_366 : f32 to vector<16xf32>
        %mul3A_368 = arith.mulf %get3A_365, %mul3A_367 : vector<16xf32>
        %swap3A_369 = arith.index_cast %scan3A_99 : i32 to index
        %swap3A_370 = arith.constant 352 : index
        %swap3A_371 = tpu.vector_load %arg9[%swap3A_369, %swap3A_370] {strides = array<i32>} : memref<64x384xf32, #tpu.memory_space<vmem>>, vector<1x16xf32>,
        %swap3A_372 = vector.shape_cast %swap3A_371 : vector<1x16xf32> to vector<16xf32>
        %swap3A_373 = vector.shape_cast %mul3A_368 : vector<16xf32> to vector<1x16xf32>
        tpu.vector_store %arg9[%swap3A_369, %swap3A_370], %swap3A_373 {strides = array<i32>} : memref<64x384xf32, #tpu.memory_space<vmem>>, vector<1x16xf32>,
        %get3A_374 = arith.index_cast %scan3A_99 : i32 to index
        %get3A_375 = arith.constant 368 : index
        %get3A_376 = tpu.vector_load %arg7[%get3A_374, %get3A_375] {strides = array<i32>} : memref<64x384xf32, #tpu.memory_space<vmem>>, vector<1x16xf32>,
        %get3A_377 = vector.shape_cast %get3A_376 : vector<1x16xf32> to vector<16xf32>
        %mul3A_378 = arith.constant 19.5959187 : f32
        %mul3A_379 = vector.broadcast %mul3A_378 : f32 to vector<16xf32>
        %mul3A_380 = arith.mulf %get3A_377, %mul3A_379 : vector<16xf32>
        %swap3A_381 = arith.index_cast %scan3A_99 : i32 to index
        %swap3A_382 = arith.constant 368 : index
        %swap3A_383 = tpu.vector_load %arg9[%swap3A_381, %swap3A_382] {strides = array<i32>} : memref<64x384xf32, #tpu.memory_space<vmem>>, vector<1x16xf32>,
        %swap3A_384 = vector.shape_cast %swap3A_383 : vector<1x16xf32> to vector<16xf32>
        %swap3A_385 = vector.shape_cast %mul3A_380 : vector<16xf32> to vector<1x16xf32>
        tpu.vector_store %arg9[%swap3A_381, %swap3A_382], %swap3A_385 {strides = array<i32>} : memref<64x384xf32, #tpu.memory_space<vmem>>, vector<1x16xf32>,
      }
      %scan3A_84 = arith.constant 64 : i32
      %add3A_85 = arith.constant 2 : i32
      %add3A_86 = arith.addi %add3A_66, %add3A_85 : i32
      %lt3A_87 = arith.constant 64 : i32
      %lt3A_88 = arith.cmpi slt, %add3A_86, %lt3A_87 : i32
      %convert_element_type3A_89 = arith.extui %lt3A_88 : i1 to i32
      %cond3A_90 = arith.constant 0 : i32
      %cond3A_91 = arith.cmpi ne, %convert_element_type3A_89, %cond3A_90 : i32
      scf.if %cond3A_91 {
        %add3A_99 = arith.constant 2 : i32
        %add3A_100 = arith.addi %add3A_66, %add3A_99 : i32
        %dma_start3A_101 = arith.constant 0 : i32
        %dma_start3A_102 = tpu.memref_slice %arg5[%add3A_100, %dma_start3A_101] : memref<64x64xi32, #tpu.memory_space<vmem>> -> memref<1x64xi32, #tpu.memory_space<vmem>>
        %dma_start3A_103 = tpu.memref_squeeze %dma_start3A_102 : memref<1x64xi32, #tpu.memory_space<vmem>> -> memref<64xi32, #tpu.memory_space<vmem>>
        %dma_start3A_104 = arith.constant 0 : i32
        %dma_start3A_105 = arith.constant 0 : i32
        %dma_start3A_106 = tpu.memref_slice %arg3[%dma_start3A_104, %dma_start3A_105] : memref<100000x384xf32, #tpu.memory_space<hbm>> -> memref<100000x384xf32, #tpu.memory_space<hbm>>
        tpu.enqueue_indirect_dma source(%dma_start3A_106 : memref<100000x384xf32, #tpu.memory_space<hbm>>) target(%arg7 : memref<64x384xf32, #tpu.memory_space<vmem>>) offsets(%dma_start3A_103 : memref<64xi32, #tpu.memory_space<vmem>>) semaphore(%arg11 : memref<!tpu.dma_semaphore, #tpu.memory_space<semaphore_mem>>)
      } else {
      }
      %mul3A_92 = arith.constant 64 : i32
      %mul3A_93 = arith.muli %add3A_66, %mul3A_92 : i32
      %add3A_94 = arith.addi %mul3A_2, %mul3A_93 : i32
      %dma_start3A_95 = arith.constant 0 : i32
      %dma_start3A_96 = tpu.memref_slice %arg4[%add3A_94, %dma_start3A_95] : memref<131072x384xf32, #tpu.memory_space<hbm>> -> memref<64x384xf32, #tpu.memory_space<hbm>>
      %dma_start3A_97 = arith.constant 0 : i32
      %dma_start3A_98 = tpu.memref_slice %arg4[%add3A_94, %dma_start3A_97] : memref<131072x384xf32, #tpu.memory_space<hbm>> -> memref<64x384xf32, #tpu.memory_space<hbm>>
      tpu.enqueue_dma source(%arg9 : memref<64x384xf32, #tpu.memory_space<vmem>>) target(%dma_start3A_98 : memref<64x384xf32, #tpu.memory_space<hbm>>) target_semaphore(%arg13 : memref<!tpu.dma_semaphore, #tpu.memory_space<semaphore_mem>>)
    }
    %scan3A_20 = arith.constant 32 : i32
    %dma_wait3A = arith.constant 0 : i32
    %dma_wait3A_21 = arith.constant 0 : i32
    %dma_wait3A_22 = tpu.memref_slice %arg4[%dma_wait3A, %dma_wait3A_21] : memref<131072x384xf32, #tpu.memory_space<hbm>> -> memref<64x384xf32, #tpu.memory_space<hbm>>
    %dma_wait3A_23 = arith.constant 0 : i32
    %dma_wait3A_24 = arith.constant 0 : i32
    %dma_wait3A_25 = tpu.memref_slice %arg4[%dma_wait3A_23, %dma_wait3A_24] : memref<131072x384xf32, #tpu.memory_space<hbm>> -> memref<64x384xf32, #tpu.memory_space<hbm>>
    tpu.wait_dma2 semaphore(%arg12 : memref<!tpu.dma_semaphore, #tpu.memory_space<semaphore_mem>>) src(%arg8 : memref<64x384xf32, #tpu.memory_space<vmem>>) dst(%dma_wait3A_25 : memref<64x384xf32, #tpu.memory_space<hbm>>)
    %dma_wait3A_26 = arith.constant 0 : i32
    %dma_wait3A_27 = arith.constant 0 : i32
    %dma_wait3A_28 = tpu.memref_slice %arg4[%dma_wait3A_26, %dma_wait3A_27] : memref<131072x384xf32, #tpu.memory_space<hbm>> -> memref<64x384xf32, #tpu.memory_space<hbm>>
    %dma_wait3A_29 = arith.constant 0 : i32
    %dma_wait3A_30 = arith.constant 0 : i32
    %dma_wait3A_31 = tpu.memref_slice %arg4[%dma_wait3A_29, %dma_wait3A_30] : memref<131072x384xf32, #tpu.memory_space<hbm>> -> memref<64x384xf32, #tpu.memory_space<hbm>>
    tpu.wait_dma2 semaphore(%arg13 : memref<!tpu.dma_semaphore, #tpu.memory_space<semaphore_mem>>) src(%arg9 : memref<64x384xf32, #tpu.memory_space<vmem>>) dst(%dma_wait3A_31 : memref<64x384xf32, #tpu.memory_space<hbm>>)
    return
  }
}

</mosaic_0001>

<sc_bundles>
// kernel: kernel.3.cloned.1.call-start
scs
__scs_entry_jumppad:
0x0: {  	(pc) =	sbr.rel $0x88, $3  }
0x1: {  	(tag) =	ssettag $0x0;
	lr =	simm.s32 $0x1  }
0x2: {  	[smem:$0x3F9F] =	sst lr;
	_ =	strace $0xD0000000  }
0x3: {  	_ = 	snop  }
0x4: {  	_ = 	snop  }
0x5: {  	_ = 	snop  }
0x6: {  	_ = 	snop  }
0x7: {  	_ = 	snop  }
__scs_overlays_trampoline_lowered:
0x8: {  	[smem:$0x3FAE] =	sst s0  }
0x9: {  	[smem:$0x3FAF] =	sst s1  }
0xa: {  	[smem:$0x3FB0] =	sst s2  }
0xb: {  	[smem:$0x3FB1] =	sst s3  }
0xc: {  	[smem:$0x3FB2] =	sst s4  }
0xd: {  	[smem:$0x3FB3] =	sst s5  }
0xe: {  	[smem:$0x3FB4] =	sst s6  }
0xf: {  	[smem:$0x3FB5] =	sst s7  }
0x10: {  	[smem:$0x3FB6] =	sst s8  }
0x11: {  	[smem:$0x3FB7] =	sst s9;
	s0 =	simm.s32 @!p0 $0x0  }
0x12: {  	s1 =	sld [smem:$0x3F9D];
	s0 =	simm.s32 @p0 $0x1  }
0x13: {  	[smem:$0x3FB8] =	sst s0;
	s0 =	simm.s32 @!p1 $0x0  }
0x14: {  	s2 =	sld [smem:$0x3F9C];
	s0 =	simm.s32 @p1 $0x1  }
0x15: {  	[smem:$0x3FB9] =	sst s0;
	s0 =	simm.s32 @!p2 $0x0  }
0x16: {  	s3 =	sld [smem:$0x3FDB];
	s0 =	simm.s32 @p2 $0x1  }
0x17: {  	s4 =	simm.s32 $0x1BF5;
	[smem:$0x3FBB] =	sst s0  }
0x18: {  	s0 =	sld [smem:$0x3F9E];
	_ =	swait.ge [sflag:s4], $0x0  }
0x19: {  	s7 =	sld [smem:$0x3F9F]  }
0x1a: {  	s8 =	sadd.s32 $0xFFFFE003, lr  }
0x1b: {  	s9 =	sadd.s32 $0xFFFFFEF7, lr;
	s5 =	simm.s32 $0xFFFFFFFF;
	p2 =	slt.u32 s8, $0xFFFFF086  }
0x1c: {  	p1 =	slt.u32 s9, $0xF7A;
	s5 =	simm.s32 @!p2 $0x0  }
0x1d: {  	s5 =	simm.s32 @p1 $0x1;
	p0 =	seq.s32 s7, s2  }
0x1e: {  	s7 =	smul.u32 @!p0 $0xF7A, s2;
	p2 =	seq.s32 @!p0 s5, $0x0  }
0x1f: {  	s9 =	smul.u32 $0xF7A, s1;
	s8 =	simm.s32 @!p0 $0x1BF5;
	p2 =	por !p2, p0  }
0x20: {  	[sflag:s8] =	ssyncset.s32 @!p0 $0xFFFFF086;
	s6 =	sadd.s32 @!p0 s3, s7;
	s7 =	simm.s32 @!p0 $0x108  }
0x21: {  	s3 =	sadd.s32 s3, s9;
	s6 =	sadd.s32 @!p0 $0x88, s6;
	s7 =	simm.s32 @p2 $0x1082  }
0x22: {  	[simem:s7], [sflag:s8] =	dma.local @!p0 [hbm:s6], $0xF7A  }
0x23: {  	s9 =	sor.u32 $0xD0000000, s2;
	s6 =	simm.s32 $0x108;
	_ =	swait.ge @!p0 [sflag:s8], $0x0  }
0x24: {  	s3 =	sadd.s32 $0x88, s3;
	s6 =	simm.s32 @!p1 $0x1082;
	[sflag:s4] =	ssyncset.s32 $0xFFFFF086  }
0x25: {  	[simem:s6], [sflag:s4] =	dma.local [hbm:s3], $0xF7A  }
0x26: {  	[smem:$0x3F9F] =	sst s1;
	(tag) =	ssettag s2;
	_ =	strace s9  }
0x27: {  	s1 =	sld [smem:$0x3FAF]  }
0x28: {  	s2 =	sld [smem:$0x3FB0]  }
0x29: {  	s4 =	sld [smem:$0x3FB2]  }
0x2a: {  	p0 =	seq.s32 s5, $0x0;
	s5 =	sld [smem:$0x3FB3]  }
0x2b: {  	s6 =	sld [smem:$0x3FB4]  }
0x2c: {  	s7 =	sld [smem:$0x3FB5]  }
0x2d: {  	s3 =	simm.s32 $0x108;
	s8 =	sld [smem:$0x3FB6]  }
0x2e: {  	s3 =	simm.s32 @!p0 $0x1082;
	s9 =	sld [smem:$0x3FB7]  }
0x2f: {  	lr =	sadd.s32 s0, s3;
	s0 =	sld [smem:$0x3FAE]  }
0x30: {  	s3 =	sld [smem:$0x3FB1]  }
0x31: {  	[smem:$0x3FBA] =	sst s10  }
0x32: {  	s10 =	sld [smem:$0x3FB8];
	_ =	sdelay $0x3  }
0x33: {  	p0 =	seq.s32 s10, $0x1;
	s10 =	sld [smem:$0x3FBA];
	_ =	sdelay $0x3  }
0x34: {  	[smem:$0x3FBA] =	sst s10  }
0x35: {  	s10 =	sld [smem:$0x3FB9];
	_ =	sdelay $0x3  }
0x36: {  	p1 =	seq.s32 s10, $0x1;
	s10 =	sld [smem:$0x3FBA];
	_ =	sdelay $0x3  }
0x37: {  	[smem:$0x3FBA] =	sst s10  }
0x38: {  	s10 =	sld [smem:$0x3FBB]  }
0x39: {  	_ = 	snop;
	(pc) =	sbr.ind lr, $3  }
0x3a: {  	_ = 	snop  }
0x3b: {  	_ = 	snop  }
0x3c: {  	p2 =	seq.s32 s10, $0x1;
	s10 =	sld [smem:$0x3FBA]  }
0x3d: {  	_ =	shalt  }
0x3e: {  	_ =	shalt  }
0x3f: {  	_ =	shalt  }
0x40: {  	_ =	shalt  }
0x41: {  	_ =	shalt  }
0x42: {  	_ =	shalt  }
0x43: {  	_ =	shalt  }
0x44: {  	_ =	shalt  }
0x45: {  	_ =	shalt  }
0x46: {  	_ =	shalt  }
0x47: {  	_ =	shalt  }
0x48: {  	_ =	shalt  }
0x49: {  	_ =	shalt  }
0x4a: {  	_ =	shalt  }
0x4b: {  	_ =	shalt  }
0x4c: {  	_ =	shalt  }
0x4d: {  	_ =	shalt  }
0x4e: {  	_ =	shalt  }
0x4f: {  	_ =	shalt  }
0x50: {  	_ =	shalt  }
0x51: {  	_ =	shalt  }
0x52: {  	_ =	shalt  }
0x53: {  	_ =	shalt  }
0x54: {  	_ =	shalt  }
0x55: {  	_ =	shalt  }
0x56: {  	_ =	shalt  }
0x57: {  	_ =	shalt  }
0x58: {  	_ =	shalt  }
0x59: {  	_ =	shalt  }
0x5a: {  	_ =	shalt  }
0x5b: {  	_ =	shalt  }
0x5c: {  	_ =	shalt  }
0x5d: {  	_ =	shalt  }
0x5e: {  	_ =	shalt  }
0x5f: {  	_ =	shalt  }
0x60: {  	_ =	shalt  }
0x61: {  	_ =	shalt  }
0x62: {  	_ =	shalt  }
0x63: {  	_ =	shalt  }
0x64: {  	_ =	shalt  }
0x65: {  	_ =	shalt  }
0x66: {  	_ =	shalt  }
0x67: {  	_ =	shalt  }
0x68: {  	_ =	shalt  }
0x69: {  	_ =	shalt  }
0x6a: {  	_ =	shalt  }
0x6b: {  	_ =	shalt  }
0x6c: {  	_ =	shalt  }
0x6d: {  	_ =	shalt  }
0x6e: {  	_ =	shalt  }
0x6f: {  	_ =	shalt  }
0x70: {  	_ =	shalt  }
0x71: {  	_ =	shalt  }
0x72: {  	_ =	shalt  }
0x73: {  	_ =	shalt  }
0x74: {  	_ =	shalt  }
0x75: {  	_ =	shalt  }
0x76: {  	_ =	shalt  }
0x77: {  	_ =	shalt  }
0x78: {  	_ =	shalt  }
0x79: {  	_ =	shalt  }
0x7a: {  	_ =	shalt  }
0x7b: {  	_ =	shalt  }
0x7c: {  	_ =	shalt  }
0x7d: {  	_ =	shalt  }
0x7e: {  	_ =	shalt  }
0x7f: {  	_ =	shalt  }
0x80: {  	_ =	shalt  }
0x81: {  	_ =	shalt  }
0x82: {  	_ =	shalt  }
0x83: {  	_ =	shalt  }
0x84: {  	_ =	shalt  }
0x85: {  	_ =	shalt  }
0x86: {  	_ =	shalt  }
0x87: {  	_ =	shalt  }
.Lfunc_end0:
.L_simem_size_0:
called_computation_lowered:
.L_overlay_start_0:
0x88: {  	s2 =	sld [smem:$0x3FD9]  }
0x89: {  	s3 =	sld [smem:$0x3FFE];
	_ =	sdelay $0x1  }
0x8a: {  	s1 =	srdreg.scid  }
0x8b: {  	s0 =	sand.u32 $0x1, s1  }
0x8c: {  	s17 =	sshll.u32 s0, $0xA;
	s2 =	sadd.s32 s3, s2  }
0x8d: {  	s2 =	sadd.s32 s2, s17  }
0x8e: {  	[smem:$0x3FC6] =	sst s2  }
0x8f: {  	_ = 	snop  }
0x90: {  	s2 =	sld [smem:$0x3FC8]  }
0x91: {  	s18 =	sld [smem:$0x3FD0];
	(tm) =	ssettm $0x1  }
0x92: {  	s4 =	sld [smem:$0x3FFB];
	_ =	sdelay $0x3  }
0x93: {  	_ =	strace s4  }
0x94: {  	s4 =	sld [smem:$0x3FFC];
	_ =	sdelay $0x3  }
0x95: {  	_ =	strace s4  }
0x96: {  	s4 =	sld [smem:$0x3FFD];
	_ =	sdelay $0x3  }
0x97: {  	_ =	strace s4  }
0x98: {  	_ =	strace $0x8FFFFFFF  }
0x99: {  	s19 =	sld [smem:$0x3FDB];
	_ =	sdelay $0x1  }
0x9a: {  	s5 =	simm.s32 $_scs_section_size  }
0x9b: {  	s6 =	simm.s32 $_size__tile_overlayer_lowered;
	s7 =	simm.s32 $_tile_overlayer_lowered  }
0x9c: {  	s22 =	simm.s32 $0x1BFF;
	s21 =	sshll.u32 s7, $0x1;
	s4 =	sadd.s32 s5, s19  }
0x9d: {  	s8 =	simm.s32 $0x0;
	s20 =	sshll.u32 s6, $0x1;
	s6 =	sadd.s32 s21, s4  }
0x9e: {  	[timem:s8], [sflag:s22] =	dma.local [hbm:s6], s20  }
0x9f: {  	_ =	swait.ge [sflag:s22], s20  }
0xa0: {  	s5 =	ssub.s32 $0x0, s20;
	[sflag:s22] =	ssyncset.done $0x0  }
0xa1: {  	[sflag:s22] =	ssyncadd.s32 s5;
	_ =	sdelay $0x1  }
0xa2: {  	s23 =	simm.s32 $0x1B8B  }
0xa3: {  	_ =	swait.ge [sflag:s23], $0x1  }
0xa4: {  	[sflag:s23] =	ssyncset.done $0x0  }
0xa5: {  	s25 =	simm.s32 $0x1B8E;
	s24 =	sld [smem:$0x3FFE];
	[sflag:s23] =	ssyncadd.s32 $0xFFFFFFFF  }
0xa6: {  	s26 =	simm.s32 $execute0_lowered;
	[smem:$0x3FD2] =	sst s25  }
0xa7: {  	s6 =	sshll.u32 s26, $0x1;
	_ =	strace $0x80000046;
	[dreg:$0x1] =	wrdreg $0xFFFFFFFF  }
0xa8: {  	s28 =	simm.s32 $_size_execute0_lowered;
	s4 =	sadd.s32 s4, s6;
	[dreg:$0x0] =	wrdreg $0x0  }
0xa9: {  	s6 =	sshll.u32 s28, $0x1;
	[dreg:$0x2] =	wrdreg s4  }
0xaa: {  	[dreg:$0x3] =	wrdreg s6  }
0xab: {  	[dreg:$0x4] =	wrdreg $0xC0  }
0xac: {  	_ =	task [dreg:s8], $0x5FFFF  }
0xad: {  	[dreg:$0x1] =	wrdreg $0xFFFFFFFF  }
0xae: {  	[dreg:$0x0] =	wrdreg $0x60  }
0xaf: {  	[dreg:$0x2] =	wrdreg s24  }
0xb0: {  	[dreg:$0x3] =	wrdreg s2  }
0xb1: {  	[dreg:$0x4] =	wrdreg s18  }
0xb2: {  	[dreg:$0x5] =	wrdreg $0x9  }
0xb3: {  	_ =	task.clear_ibuf [dreg:s8], $0x6FFFF;
	_ =	strace $0x90000046  }
0xb4: {  	s29 =	simm.s32 $0x9;
	_ =	strace $0x80000048  }
0xb5: {  	_ =	swait.ge [sflag:s29], $0x1  }
0xb6: {  	[sflag:s29] =	ssyncadd.s32 $0xFFFFFFFF  }
0xb7: {  	_ =	strace $0x90000048  }
0xb8: {  	_ =	sfence  }
0xb9: {  	s30 =	sld [smem:$0x0];
	_ =	sdelay $0x2  }
0xba: {  	s31 =	sshll.u32 s1, $0xD;
	s1 =	sshrl.u32 s1, $0x2  }
0xbb: {  	s3 =	sand.u32 $0x4000, s31;
	s1 =	sadd.s32 s1, s30  }
0xbc: {  	s0 =	sor.u32 s3, s0;
	s1 =	sshll.u32 s1, $0x11  }
0xbd: {  	s0 =	sor.u32 s1, s0  }
0xbe: {  	s0 =	sadd.s32 $0x8F2B, s0  }
0xbf: {  	[sflag:s0] =	ssyncadd.remote.s32 $0x1  }
0xc0: {  	_ =	sfence.sel $0xFFFF  }
0xc1: {  	[dreg:$0x0] =	wrdreg $0xFFFFFFFF;
	(pc) =	sbr.abs _section_cstart, $3  }
0xc2: {  	[dreg:$0x1] =	wrdreg $0xFFFFFFFF  }
0xc3: {  	_ =	task.clear_ibuf [dreg:s8], $0x2FFFF;
	_ =	strace $0x9FFFFFFF  }
0xc4: {  	(tm) =	ssettm $0x7FFFFFFF  }
0xc5: {  	_ =	shalt  }
tec
execute0_lowered:
.L_overlay_start_1:
0x0: {  	(tag) =	ssettag $0x1  }
0x1: {  	s0 =	rddreg [dreg:$0x0]  }
0x2: {  	s2 =	rddreg [dreg:$0x1]  }
0x3: {  	s3 =	rddreg [dreg:$0x2]  }
0x4: {  	s1 =	srdreg.scid;
	s4 =	stileid.u32;
	s31 =	simm.s32 $0x9400  }
0x5: {  	s8 =	simm.s32 $0xAC00;
	s10 =	simm.s32 $0xB000;
	s11 =	simm.s32 $0xB800  }
0x6: {  	s12 =	simm.s32 $0xBC00;
	s13 =	simm.s32 $0xC400;
	s14 =	simm.s32 $0xC800  }
0x7: {  	s15 =	simm.s32 $0xD000;
	s16 =	simm.s32 $0xD400;
	s17 =	simm.s32 $0xDC00  }
0x8: {  	s18 =	simm.s32 $0x1;
	s19 =	simm.s32 $0xE000;
	s20 =	simm.s32 $0x2  }
0x9: {  	s21 =	simm.s32 $0x14000;
	s24 =	simm.s32 $0x0;
	s1 =	sand.u32 $0x1, s1  }
0xa: {  	s5 =	sshll.u32 s4, $0x1;
	s4 =	simm.s32 $0x0;
	s9 =	sadd.s32 $0xC00, s3  }
0xb: {  	s5 =	sor.u32 s1, s5;
	s1 =	ssub.s32 $0x2, s1;
	[smem:$0x7FF] =	sst s4  }
.Ltmp0:
0xc: {  	s6 =	sshll.u32 s5, $0xA;
	s7 =	sshrl.u32 s1, $0x1;
	(pc) =	sbr.rel .LBB2_1-.Ltmp0, $4  }
0xd: {  	_ =	strace $0x80000047;
	s5 =	sshll.u32 s5, $0xC;
	s0 =	sadd.s32 s6, s0  }
0xe: {  	v2 =	vlaneseq.u32;
	s1 =	ssub.s32 s1, s7;
	s7 =	sadd.s32 $0x100, s2;
	s0 =	sadd.s32 $0x400, s0  }
0xf: {  	vm0 =	vmmov $0xffff;
	vm1 =	vmmov $0xff;
	v1 =	vshrl.u32 v2, $0x3;
	s6 =	simm.s32 $0xA400;
	s30 =	smax.u32 s1, $0x1;
	[dreg:$0x4] =	wrdreg s0  }
0x10: {  	v0 =	vand.u32 $0x7, v2;
	v2 =	vor.u32 $0x8, v2;
	v1 =	vmul.u32 $0x8, v1;
	s1 =	simm.s32 $0xA000;
	[dreg:$0x5] =	wrdreg s30;
	s0 =	simm.s32 $0x9800  }
.LBB2_11:
0x11: {  	s22 =	simm.s32 $0x3  }
0x12: {  	_ =	swait.ge [sflag:s22], $0x6000  }
0x13: {  	[sflag:s22] =	ssyncset.done $0x0  }
0x14: {  	s23 =	simm.s32 $0x4;
	[sflag:s22] =	ssyncadd.s32 $0xFFFFA000  }
0x15: {  	_ =	swait.ge [sflag:s23], $0x6000  }
0x16: {  	s24 =	rddreg [dreg:$0x6]  }
0x17: {  	s30 =	rddreg [dreg:$0x5];
	s24 =	sadd.s32 $0x1, s24  }
0x18: {  	p0 =	sne.s32 s24, s30  }
.Ltmp1:
0x19: {  	_ = 	snop;
	(pc) =	sbr.rel @!p0 .LBB2_12-.Ltmp1, $3  }
0x1a: {  	_ =	sdelay $0x1  }
0x1b: {  	[sflag:s23] =	ssyncset.done $0x0  }
0x1c: {  	[sflag:s23] =	ssyncadd.s32 $0xFFFFA000  }
.LBB2_1:
0x1d: {  	[dreg:$0x6] =	wrdreg s24  }
0x1e: {  	s22 =	rddreg [dreg:$0x4];
	s24 =	simm.s32 $0x5  }
0x1f: {  	[tilespmem:s4], [sflag:$0x5] =	stream.linear.gather [hbm4b:s22+s4], $0x2000, $0x38;
	[tilespmem:$0x1A000] =	vst v63  }
0x20: {  	_ =	swait.ge [sflag:s24], $0x2000  }
0x21: {  	[sflag:s24] =	ssyncset.done $0x0  }
0x22: {  	[sflag:s24] =	ssyncadd.s32 $0xFFFFE000  }
0x23: {  	v3 =	vld [tilespmem:$0x0];
	_ =	sdelay $0x4  }
0x24: {  	v4 =	vshrl.u32 v3, $0x3  }
0x25: {  	v4 =	vmul.u32 $0x18, v4  }
0x26: {  	v3 =	vand.u32 $0x7, v3  }
0x27: {  	v3 =	vor.u32 v3, v4  }
0x28: {  	v4 =	vperm.xlane v3, v0;
	_ =	sdelay $0x1  }
0x29: {  	v4 =	vadd.s32 v1, v4;
	_ =	sdelay $0x1  }
0x2a: {  	v3 =	vperm.xlane v3, v2;
	_ =	sdelay $0x1  }
0x2b: {  	s25 =	simm.s32 $0x2000;
	v3 =	vadd.s32 v1, v3  }
0x2c: {  	[tilespmem:s25], [sflag:$0x1] =	stream.indirect_vreg.gather [hbm4b:s2+s4], $0x80, v4, vm0, $0xb8;
	[tilespmem:$0x1A000] =	vst v63  }
0x2d: {  	s26 =	simm.s32 $0x2800  }
0x2e: {  	[tilespmem:s26], [sflag:$0x1] =	stream.indirect_vreg.gather [hbm4b:s7+s4], $0x80, v4, vm1, $0xb8;
	[tilespmem:$0x1A000] =	vst v63  }
0x2f: {  	s28 =	simm.s32 $0x2C00  }
0x30: {  	[tilespmem:s28], [sflag:$0x1] =	stream.indirect_vreg.gather [hbm4b:s2+s4], $0x80, v3, vm0, $0xb8;
	[tilespmem:$0x1A000] =	vst v63  }
0x31: {  	s29 =	simm.s32 $0x3400  }
0x32: {  	[tilespmem:s29], [sflag:$0x1] =	stream.indirect_vreg.gather [hbm4b:s7+s4], $0x80, v3, vm1, $0xb8;
	[tilespmem:$0x1A000] =	vst v63  }
0x33: {  	v3 =	vld [tilespmem:$0x10];
	_ =	sdelay $0x4  }
0x34: {  	v57 =	vshrl.u32 v3, $0x3  }
0x35: {  	v4 =	vmul.u32 $0x18, v57  }
0x36: {  	v3 =	vand.u32 $0x7, v3  }
0x37: {  	v3 =	vor.u32 v3, v4  }
0x38: {  	v4 =	vperm.xlane v3, v0;
	_ =	sdelay $0x1  }
0x39: {  	v4 =	vadd.s32 v1, v4;
	_ =	sdelay $0x1  }
0x3a: {  	v3 =	vperm.xlane v3, v2;
	_ =	sdelay $0x1  }
0x3b: {  	s30 =	simm.s32 $0x3800;
	v3 =	vadd.s32 v1, v3  }
0x3c: {  	[tilespmem:s30], [sflag:$0x1] =	stream.indirect_vreg.gather [hbm4b:s2+s4], $0x80, v4, vm0, $0xb8;
	[tilespmem:$0x1A000] =	vst v63  }
0x3d: {  	s23 =	simm.s32 $0x4000  }
0x3e: {  	[tilespmem:s23], [sflag:$0x1] =	stream.indirect_vreg.gather [hbm4b:s7+s4], $0x80, v4, vm1, $0xb8;
	[tilespmem:$0x1A000] =	vst v63  }
0x3f: {  	s24 =	simm.s32 $0x4400  }
0x40: {  	[tilespmem:s24], [sflag:$0x1] =	stream.indirect_vreg.gather [hbm4b:s2+s4], $0x80, v3, vm0, $0xb8;
	[tilespmem:$0x1A000] =	vst v63  }
0x41: {  	s25 =	simm.s32 $0x4C00  }
0x42: {  	[tilespmem:s25], [sflag:$0x1] =	stream.indirect_vreg.gather [hbm4b:s7+s4], $0x80, v3, vm1, $0xb8;
	[tilespmem:$0x1A000] =	vst v63  }
0x43: {  	v3 =	vld [tilespmem:$0x20];
	_ =	sdelay $0x4  }
0x44: {  	v58 =	vshrl.u32 v3, $0x3  }
0x45: {  	v4 =	vmul.u32 $0x18, v58  }
0x46: {  	v3 =	vand.u32 $0x7, v3  }
0x47: {  	v3 =	vor.u32 v3, v4  }
0x48: {  	v4 =	vperm.xlane v3, v0;
	_ =	sdelay $0x1  }
0x49: {  	v4 =	vadd.s32 v1, v4;
	_ =	sdelay $0x1  }
0x4a: {  	v3 =	vperm.xlane v3, v2;
	_ =	sdelay $0x1  }
0x4b: {  	s26 =	simm.s32 $0x5000;
	v3 =	vadd.s32 v1, v3  }
0x4c: {  	[tilespmem:s26], [sflag:$0x1] =	stream.indirect_vreg.gather [hbm4b:s2+s4], $0x80, v4, vm0, $0xb8;
	[tilespmem:$0x1A000] =	vst v63  }
0x4d: {  	s28 =	simm.s32 $0x5800  }
0x4e: {  	[tilespmem:s28], [sflag:$0x1] =	stream.indirect_vreg.gather [hbm4b:s7+s4], $0x80, v4, vm1, $0xb8;
	[tilespmem:$0x1A000] =	vst v63  }
0x4f: {  	s29 =	simm.s32 $0x5C00  }
0x50: {  	[tilespmem:s29], [sflag:$0x1] =	stream.indirect_vreg.gather [hbm4b:s2+s4], $0x80, v3, vm0, $0xb8;
	[tilespmem:$0x1A000] =	vst v63  }
0x51: {  	s30 =	simm.s32 $0x6400  }
0x52: {  	[tilespmem:s30], [sflag:$0x1] =	stream.indirect_vreg.gather [hbm4b:s7+s4], $0x80, v3, vm1, $0xb8;
	[tilespmem:$0x1A000] =	vst v63  }
0x53: {  	v3 =	vld [tilespmem:$0x30];
	_ =	sdelay $0x4  }
0x54: {  	v59 =	vshrl.u32 v3, $0x3  }
0x55: {  	v4 =	vmul.u32 $0x18, v59  }
0x56: {  	v3 =	vand.u32 $0x7, v3  }
0x57: {  	v3 =	vor.u32 v3, v4  }
0x58: {  	v4 =	vperm.xlane v3, v0;
	_ =	sdelay $0x1  }
0x59: {  	v4 =	vadd.s32 v1, v4;
	_ =	sdelay $0x1  }
0x5a: {  	v3 =	vperm.xlane v3, v2;
	_ =	sdelay $0x1  }
0x5b: {  	s23 =	simm.s32 $0x6800;
	v3 =	vadd.s32 v1, v3  }
0x5c: {  	[tilespmem:s23], [sflag:$0x1] =	stream.indirect_vreg.gather [hbm4b:s2+s4], $0x80, v4, vm0, $0xb8;
	[tilespmem:$0x1A000] =	vst v63  }
0x5d: {  	s24 =	simm.s32 $0x7000  }
0x5e: {  	[tilespmem:s24], [sflag:$0x1] =	stream.indirect_vreg.gather [hbm4b:s7+s4], $0x80, v4, vm1, $0xb8;
	[tilespmem:$0x1A000] =	vst v63  }
0x5f: {  	s25 =	simm.s32 $0x7400  }
0x60: {  	[tilespmem:s25], [sflag:$0x1] =	stream.indirect_vreg.gather [hbm4b:s2+s4], $0x80, v3, vm0, $0xb8;
	[tilespmem:$0x1A000] =	vst v63  }
0x61: {  	s26 =	simm.s32 $0x7C00  }
0x62: {  	[tilespmem:s26], [sflag:$0x1] =	stream.indirect_vreg.gather [hbm4b:s7+s4], $0x80, v3, vm1, $0xb8;
	[tilespmem:$0x1A000] =	vst v63  }
0x63: {  	v3 =	vld [tilespmem:$0x80];
	_ =	sdelay $0x4  }
0x64: {  	v60 =	vshrl.u32 v3, $0x3  }
0x65: {  	v4 =	vmul.u32 $0x18, v60  }
0x66: {  	v3 =	vand.u32 $0x7, v3  }
0x67: {  	v3 =	vor.u32 v3, v4  }
0x68: {  	v4 =	vperm.xlane v3, v0;
	_ =	sdelay $0x1  }
0x69: {  	v4 =	vadd.s32 v1, v4;
	_ =	sdelay $0x1  }
0x6a: {  	v3 =	vperm.xlane v3, v2;
	_ =	sdelay $0x1  }
0x6b: {  	s28 =	simm.s32 $0x8000;
	v3 =	vadd.s32 v1, v3  }
0x6c: {  	[tilespmem:s28], [sflag:$0x2] =	stream.indirect_vreg.gather [hbm4b:s2+s4], $0x80, v4, vm0, $0xb8;
	[tilespmem:$0x1A000] =	vst v63  }
0x6d: {  	s29 =	simm.s32 $0x8800  }
0x6e: {  	[tilespmem:s29], [sflag:$0x2] =	stream.indirect_vreg.gather [hbm4b:s7+s4], $0x80, v4, vm1, $0xb8;
	[tilespmem:$0x1A000] =	vst v63  }
0x6f: {  	s30 =	simm.s32 $0x8C00  }
0x70: {  	[tilespmem:s30], [sflag:$0x2] =	stream.indirect_vreg.gather [hbm4b:s2+s4], $0x80, v3, vm0, $0xb8;
	[tilespmem:$0x1A000] =	vst v63  }
0x71: {  	_ = 	snop  }
0x72: {  	[tilespmem:s31], [sflag:$0x2] =	stream.indirect_vreg.gather [hbm4b:s7+s4], $0x80, v3, vm1, $0xb8;
	[tilespmem:$0x1A000] =	vst v63  }
0x73: {  	v3 =	vld [tilespmem:$0x90];
	_ =	sdelay $0x4  }
0x74: {  	v61 =	vshrl.u32 v3, $0x3  }
0x75: {  	v4 =	vmul.u32 $0x18, v61  }
0x76: {  	v3 =	vand.u32 $0x7, v3  }
0x77: {  	v3 =	vor.u32 v3, v4  }
0x78: {  	v4 =	vperm.xlane v3, v0;
	_ =	sdelay $0x1  }
0x79: {  	v4 =	vadd.s32 v1, v4;
	_ =	sdelay $0x1  }
0x7a: {  	v3 =	vperm.xlane v3, v2;
	_ =	sdelay $0x1  }
0x7b: {  	v3 =	vadd.s32 v1, v3  }
0x7c: {  	[tilespmem:s0], [sflag:$0x2] =	stream.indirect_vreg.gather [hbm4b:s2+s4], $0x80, v4, vm0, $0xb8;
	[tilespmem:$0x1A000] =	vst v63  }
0x7d: {  	_ = 	snop  }
0x7e: {  	[tilespmem:s1], [sflag:$0x2] =	stream.indirect_vreg.gather [hbm4b:s7+s4], $0x80, v4, vm1, $0xb8;
	[tilespmem:$0x1A000] =	vst v63  }
0x7f: {  	_ = 	snop  }
0x80: {  	[tilespmem:s6], [sflag:$0x2] =	stream.indirect_vreg.gather [hbm4b:s2+s4], $0x80, v3, vm0, $0xb8;
	[tilespmem:$0x1A000] =	vst v63  }
0x81: {  	_ = 	snop  }
0x82: {  	[tilespmem:s8], [sflag:$0x2] =	stream.indirect_vreg.gather [hbm4b:s7+s4], $0x80, v3, vm1, $0xb8;
	[tilespmem:$0x1A000] =	vst v63  }
0x83: {  	v3 =	vld [tilespmem:$0xA0];
	_ =	sdelay $0x4  }
0x84: {  	v62 =	vshrl.u32 v3, $0x3  }
0x85: {  	v4 =	vmul.u32 $0x18, v62  }
0x86: {  	v3 =	vand.u32 $0x7, v3  }
0x87: {  	v3 =	vor.u32 v3, v4  }
0x88: {  	v4 =	vperm.xlane v3, v0;
	_ =	sdelay $0x1  }
0x89: {  	v4 =	vadd.s32 v1, v4;
	_ =	sdelay $0x1  }
0x8a: {  	v3 =	vperm.xlane v3, v2;
	_ =	sdelay $0x1  }
0x8b: {  	v3 =	vadd.s32 v1, v3  }
0x8c: {  	[tilespmem:s10], [sflag:$0x2] =	stream.indirect_vreg.gather [hbm4b:s2+s4], $0x80, v4, vm0, $0xb8;
	[tilespmem:$0x1A000] =	vst v63  }
0x8d: {  	_ = 	snop  }
0x8e: {  	[tilespmem:s11], [sflag:$0x2] =	stream.indirect_vreg.gather [hbm4b:s7+s4], $0x80, v4, vm1, $0xb8;
	[tilespmem:$0x1A000] =	vst v63  }
0x8f: {  	_ = 	snop  }
0x90: {  	[tilespmem:s12], [sflag:$0x2] =	stream.indirect_vreg.gather [hbm4b:s2+s4], $0x80, v3, vm0, $0xb8;
	[tilespmem:$0x1A000] =	vst v63  }
0x91: {  	_ = 	snop  }
0x92: {  	[tilespmem:s13], [sflag:$0x2] =	stream.indirect_vreg.gather [hbm4b:s7+s4], $0x80, v3, vm1, $0xb8;
	[tilespmem:$0x1A000] =	vst v63  }
0x93: {  	v3 =	vld [tilespmem:$0xB0];
	_ =	sdelay $0x4  }
0x94: {  	v63 =	vshrl.u32 v3, $0x3  }
0x95: {  	v4 =	vmul.u32 $0x18, v63  }
0x96: {  	v3 =	vand.u32 $0x7, v3  }
0x97: {  	v3 =	vor.u32 v3, v4  }
0x98: {  	v4 =	vperm.xlane v3, v0;
	_ =	sdelay $0x1  }
0x99: {  	v4 =	vadd.s32 v1, v4;
	_ =	sdelay $0x2  }
0x9a: {  	v3 =	vperm.xlane v3, v2;
	_ =	sdelay $0x1  }
0x9b: {  	v3 =	vadd.s32 v1, v3;
	[tilespmem:s14], [sflag:$0x2] =	stream.indirect_vreg.gather [hbm4b:s2+s4], $0x80, v4, vm0, $0xb8;
	[tilespmem:$0x1A000] =	vst v63  }
0x9c: {  	_ = 	snop  }
0x9d: {  	[tilespmem:s15], [sflag:$0x2] =	stream.indirect_vreg.gather [hbm4b:s7+s4], $0x80, v4, vm1, $0xb8;
	[tilespmem:$0x1A000] =	vst v63  }
.Ltmp2:
0x9e: {  	_ = 	snop;
	(pc) =	sbr.rel .LBB2_2-.Ltmp2, $4  }
0x9f: {  	_ = 	snop  }
0xa0: {  	[tilespmem:s16], [sflag:$0x2] =	stream.indirect_vreg.gather [hbm4b:s2+s4], $0x80, v3, vm0, $0xb8;
	[tilespmem:$0x1A000] =	vst v63  }
0xa1: {  	s22 =	simm.s32 $0x0  }
0xa2: {  	[tilespmem:s17], [sflag:$0x2] =	stream.indirect_vreg.gather [hbm4b:s7+s4], $0x80, v3, vm1, $0xb8;
	[tilespmem:$0x1A000] =	vst v63  }
.LBB2_10:
0xa3: {  	s22 =	sadd.s32 $0x1, s22  }
0xa4: {  	p0 =	sne.s32 s22, $0x20  }
.Ltmp3:
0xa5: {  	_ = 	snop;
	(pc) =	sbr.rel @!p0 .LBB2_11-.Ltmp3, $3  }
0xa6: {  	_ =	sdelay $0x1  }
0xa7: {  	s23 =	sadd.s32 s9, s24  }
0xa8: {  	[hbm4b:s23+s4] =	stream.linear.scatter [tilespmem:s21], [sflag:$0x4], $0x6000, $0x38;
	[tilespmem:$0x1A000] =	vst v63  }
.LBB2_2:
0xa9: {  	_ =	swait.ge [sflag:s18], $0x6000  }
0xaa: {  	p0 =	seq.s32 s22, $0x0;
	[sflag:s18] =	ssyncset.done $0x0  }
0xab: {  	s24 =	simm.s32 $0x0;
	s23 =	simm.s32 @!p0 $0x3;
	[sflag:s18] =	ssyncadd.s32 $0xFFFFA000  }
0xac: {  	s25 =	simm.s32 $0x0;
	s24 =	smul.u32 $0xC00, s24;
	_ =	swait.ge @!p0 [sflag:s23], $0x6000  }
0xad: {  	s26 =	sand.u32 $0x380, s25;
	[sflag:s23] =	ssyncset.done @!p0 $0x0  }
0xae: {  	s24 =	sor.u32 s26, s24;
	[sflag:s23] =	ssyncadd.s32 @!p0 $0xFFFFA000  }
0xaf: {  	v3 =	vld [tilespmem:s24+$0x2870]  }
0xb0: {  	v4 =	vld [tilespmem:s24+$0x2000]  }
0xb1: {  	v5 =	vld [tilespmem:s24+$0x2010]  }
0xb2: {  	v6 =	vld [tilespmem:s24+$0x2020]  }
0xb3: {  	v7 =	vld [tilespmem:s24+$0x2030]  }
0xb4: {  	v8 =	vld [tilespmem:s24+$0x2040]  }
0xb5: {  	v9 =	vld [tilespmem:s24+$0x2050];
	v3 =	vmul.f32 $1.959591870e+01, v3  }
0xb6: {  	v4 =	vmul.f32 $1.959591870e+01, v4  }
0xb7: {  	[tilespmem:s24+$0xE870] =	vst v3;
	v3 =	vmul.f32 $1.959591870e+01, v5  }
0xb8: {  	v10 =	vld [tilespmem:s24+$0x2060];
	[tilespmem:s24+$0xE000] =	vst v4;
	v5 =	vmul.f32 $1.959591870e+01, v6  }
0xb9: {  	v4 =	vld [tilespmem:s24+$0x2070];
	v6 =	vmul.f32 $1.959591870e+01, v7;
	[tilespmem:s24+$0xE010] =	vst v3  }
0xba: {  	v7 =	vmul.f32 $1.959591870e+01, v8;
	v8 =	vmul.f32 $1.959591870e+01, v9;
	v3 =	vld [tilespmem:s24+$0x2400];
	[tilespmem:s24+$0xE020] =	vst v5  }
0xbb: {  	v5 =	vld [tilespmem:s24+$0x2410];
	[tilespmem:s24+$0xE030] =	vst v6  }
0xbc: {  	[tilespmem:s24+$0xE050] =	vst v8;
	v8 =	vld [tilespmem:s24+$0x2440]  }
0xbd: {  	v6 =	vld [tilespmem:s24+$0x2420];
	[tilespmem:s24+$0xE040] =	vst v7;
	v7 =	vmul.f32 $1.959591870e+01, v10  }
0xbe: {  	v9 =	vld [tilespmem:s24+$0x2430];
	v4 =	vmul.f32 $1.959591870e+01, v4  }
0xbf: {  	v10 =	vld [tilespmem:s24+$0x2450];
	[tilespmem:s24+$0xE060] =	vst v7;
	v3 =	vmul.f32 $1.959591870e+01, v3  }
0xc0: {  	v11 =	vld [tilespmem:s24+$0x2460];
	[tilespmem:s24+$0xE070] =	vst v4;
	v4 =	vmul.f32 $1.959591870e+01, v5  }
0xc1: {  	v7 =	vld [tilespmem:s24+$0x2470];
	v8 =	vmul.f32 $1.959591870e+01, v8;
	[tilespmem:s24+$0xE400] =	vst v3  }
0xc2: {  	v5 =	vld [tilespmem:s24+$0x2800];
	v3 =	vmul.f32 $1.959591870e+01, v6;
	[tilespmem:s24+$0xE410] =	vst v4  }
0xc3: {  	v6 =	vmul.f32 $1.959591870e+01, v9;
	v4 =	vld [tilespmem:s24+$0x2810];
	[tilespmem:s24+$0xE440] =	vst v8  }
0xc4: {  	v8 =	vmul.f32 $1.959591870e+01, v10;
	[tilespmem:s24+$0xE420] =	vst v3;
	v3 =	vld [tilespmem:s24+$0x2820]  }
0xc5: {  	s28 =	simm.s32 $0x0;
	s26 =	simm.s32 $0x2;
	s23 =	sshll.u32 s22, $0xA;
	v9 =	vmul.f32 $1.959591870e+01, v11;
	[tilespmem:s24+$0xE430] =	vst v6;
	v6 =	vld [tilespmem:s24+$0x2830]  }
.LBB2_3:
0xc6: {  	p1 =	sne.s32 s26, $0x3F;
	s28 =	smul.u32 $0xC00, s28;
	[tilespmem:s24+$0xE450] =	vst v8;
	v7 =	vmul.f32 $1.959591870e+01, v7;
	v8 =	vld [tilespmem:s24+$0x2840];
	s25 =	sadd.s32 $0x80, s25  }
0xc7: {  	s29 =	sand.u32 $0x380, s25;
	[tilespmem:s24+$0xE460] =	vst v9;
	v5 =	vmul.f32 $1.959591870e+01, v5;
	v9 =	vld [tilespmem:s24+$0x2850]  }
0xc8: {  	s28 =	sor.u32 s29, s28;
	[tilespmem:s24+$0xE470] =	vst v7;
	v4 =	vmul.f32 $1.959591870e+01, v4;
	v7 =	vld [tilespmem:s24+$0x2860]  }
0xc9: {  	v10 =	vld [tilespmem:s28+$0x2870];
	[tilespmem:s24+$0xE800] =	vst v5;
	v3 =	vmul.f32 $1.959591870e+01, v3  }
0xca: {  	v5 =	vld [tilespmem:s28+$0x2000];
	[tilespmem:s24+$0xE810] =	vst v4;
	v4 =	vmul.f32 $1.959591870e+01, v6  }
0xcb: {  	v6 =	vld [tilespmem:s28+$0x2010];
	[tilespmem:s24+$0xE820] =	vst v3;
	v3 =	vmul.f32 $1.959591870e+01, v8  }
0xcc: {  	v8 =	vld [tilespmem:s28+$0x2020];
	[tilespmem:s24+$0xE830] =	vst v4;
	v4 =	vmul.f32 $1.959591870e+01, v9  }
0xcd: {  	v9 =	vld [tilespmem:s28+$0x2030];
	[tilespmem:s24+$0xE840] =	vst v3;
	v3 =	vmul.f32 $1.959591870e+01, v7  }
0xce: {  	v7 =	vld [tilespmem:s28+$0x2040];
	v10 =	vmul.f32 $1.959591870e+01, v10;
	[tilespmem:s24+$0xE850] =	vst v4  }
0xcf: {  	v4 =	vmul.f32 $1.959591870e+01, v5;
	v5 =	vld [tilespmem:s28+$0x2050];
	[tilespmem:s24+$0xE860] =	vst v3;
	s24 =	smov.u32 s28  }
0xd0: {  	v3 =	vmul.f32 $1.959591870e+01, v6;
	v6 =	vld [tilespmem:s24+$0x2060];
	[tilespmem:s24+$0xE870] =	vst v10  }
0xd1: {  	[tilespmem:s24+$0xE000] =	vst v4;
	v4 =	vmul.f32 $1.959591870e+01, v8;
	v8 =	vld [tilespmem:s24+$0x2070]  }
0xd2: {  	[tilespmem:s24+$0xE010] =	vst v3;
	v3 =	vmul.f32 $1.959591870e+01, v9;
	v9 =	vld [tilespmem:s24+$0x2400]  }
0xd3: {  	[tilespmem:s24+$0xE020] =	vst v4;
	v4 =	vmul.f32 $1.959591870e+01, v7;
	v7 =	vld [tilespmem:s24+$0x2410]  }
0xd4: {  	[tilespmem:s24+$0xE030] =	vst v3;
	v3 =	vmul.f32 $1.959591870e+01, v5;
	v5 =	vld [tilespmem:s24+$0x2420]  }
0xd5: {  	[tilespmem:s24+$0xE040] =	vst v4;
	v4 =	vmul.f32 $1.959591870e+01, v6;
	v6 =	vld [tilespmem:s24+$0x2430]  }
0xd6: {  	[tilespmem:s24+$0xE050] =	vst v3;
	v3 =	vmul.f32 $1.959591870e+01, v8;
	v8 =	vld [tilespmem:s24+$0x2440]  }
0xd7: {  	[tilespmem:s24+$0xE060] =	vst v4;
	v4 =	vmul.f32 $1.959591870e+01, v9;
	v9 =	vld [tilespmem:s24+$0x2450]  }
0xd8: {  	[tilespmem:s24+$0xE070] =	vst v3;
	v3 =	vmul.f32 $1.959591870e+01, v7;
	v10 =	vld [tilespmem:s24+$0x2460]  }
.Ltmp4:
0xd9: {  	[tilespmem:s24+$0xE400] =	vst v4;
	v4 =	vmul.f32 $1.959591870e+01, v5;
	v7 =	vld [tilespmem:s24+$0x2470];
	(pc) =	sbr.rel @p1 .LBB2_3-.Ltmp4, $4  }
0xda: {  	[tilespmem:s24+$0xE410] =	vst v3;
	v3 =	vmul.f32 $1.959591870e+01, v6;
	v5 =	vld [tilespmem:s24+$0x2800]  }
0xdb: {  	[tilespmem:s24+$0xE420] =	vst v4;
	v6 =	vmul.f32 $1.959591870e+01, v8;
	v4 =	vld [tilespmem:s24+$0x2810]  }
0xdc: {  	[tilespmem:s24+$0xE430] =	vst v3;
	v8 =	vmul.f32 $1.959591870e+01, v9;
	v3 =	vld [tilespmem:s24+$0x2820]  }
0xdd: {  	s28 =	sshrl.u32 s26, $0x3;
	s26 =	sadd.s32 $0x1, s26;
	[tilespmem:s24+$0xE440] =	vst v6;
	v9 =	vmul.f32 $1.959591870e+01, v10;
	v6 =	vld [tilespmem:s24+$0x2830]  }
0xde: {  	[tilespmem:s24+$0xE450] =	vst v8;
	v33 =	vld [tilespmem:s24+$0x2840];
	v7 =	vmul.f32 $1.959591870e+01, v7;
	s26 =	smul.u32 $0xC00, s28;
	s25 =	sadd.s32 $0x80, s25  }
0xdf: {  	v34 =	vld [tilespmem:s24+$0x2850];
	[tilespmem:s24+$0xE460] =	vst v9;
	s25 =	sand.u32 $0x380, s25;
	v5 =	vmul.f32 $1.959591870e+01, v5  }
0xe0: {  	v35 =	vld [tilespmem:s24+$0x2860];
	[tilespmem:s24+$0xE470] =	vst v7;
	s25 =	sor.u32 s25, s26;
	v4 =	vmul.f32 $1.959591870e+01, v4  }
0xe1: {  	v10 =	vld [tilespmem:s25+$0x2870];
	[tilespmem:s24+$0xE800] =	vst v5;
	v3 =	vmul.f32 $1.959591870e+01, v3  }
0xe2: {  	v5 =	vld [tilespmem:s25+$0x2000];
	[tilespmem:s24+$0xE810] =	vst v4;
	v6 =	vmul.f32 $1.959591870e+01, v6  }
0xe3: {  	v4 =	vld [tilespmem:s25+$0x2010];
	[tilespmem:s24+$0xE820] =	vst v3;
	v8 =	vmul.f32 $1.959591870e+01, v33  }
0xe4: {  	v9 =	vmul.f32 $1.959591870e+01, v34;
	v3 =	vld [tilespmem:s25+$0x2020];
	[tilespmem:s24+$0xE830] =	vst v6  }
0xe5: {  	v7 =	vmul.f32 $1.959591870e+01, v35;
	v6 =	vld [tilespmem:s25+$0x2030];
	[tilespmem:s24+$0xE840] =	vst v8  }
0xe6: {  	v8 =	vld [tilespmem:s25+$0x2040];
	[tilespmem:s24+$0xE850] =	vst v9;
	v36 =	vmul.f32 $1.959591870e+01, v10  }
0xe7: {  	v37 =	vld [tilespmem:s25+$0x2050];
	v5 =	vmul.f32 $1.959591870e+01, v5;
	[tilespmem:s24+$0xE860] =	vst v7  }
0xe8: {  	v4 =	vmul.f32 $1.959591870e+01, v4;
	v7 =	vld [tilespmem:s25+$0x2060];
	[tilespmem:s25+$0xE870] =	vst v36  }
0xe9: {  	v38 =	vld [tilespmem:s25+$0x2070];
	[tilespmem:s25+$0xE000] =	vst v5;
	v3 =	vmul.f32 $1.959591870e+01, v3  }
0xea: {  	v40 =	vld [tilespmem:s25+$0x2400];
	[tilespmem:s25+$0xE010] =	vst v4;
	v39 =	vmul.f32 $1.959591870e+01, v6  }
0xeb: {  	v41 =	vld [tilespmem:s25+$0x2410];
	[tilespmem:s25+$0xE020] =	vst v3;
	v3 =	vmul.f32 $1.959591870e+01, v8  }
0xec: {  	v43 =	vld [tilespmem:s25+$0x2420];
	[tilespmem:s25+$0xE030] =	vst v39;
	v42 =	vmul.f32 $1.959591870e+01, v37  }
0xed: {  	v44 =	vld [tilespmem:s25+$0x2430];
	[tilespmem:s25+$0xE040] =	vst v3;
	v3 =	vmul.f32 $1.959591870e+01, v7  }
0xee: {  	v46 =	vld [tilespmem:s25+$0x2440];
	v45 =	vmul.f32 $1.959591870e+01, v38;
	[tilespmem:s25+$0xE050] =	vst v42  }
0xef: {  	v47 =	vld [tilespmem:s25+$0x2450];
	[tilespmem:s25+$0xE060] =	vst v3;
	v3 =	vmul.f32 $1.959591870e+01, v40  }
0xf0: {  	v49 =	vld [tilespmem:s25+$0x2460];
	v48 =	vmul.f32 $1.959591870e+01, v41;
	[tilespmem:s25+$0xE070] =	vst v45  }
0xf1: {  	v50 =	vld [tilespmem:s25+$0x2470];
	[tilespmem:s25+$0xE400] =	vst v3;
	v3 =	vmul.f32 $1.959591870e+01, v43  }
0xf2: {  	v52 =	vld [tilespmem:s25+$0x2800];
	v51 =	vmul.f32 $1.959591870e+01, v44;
	[tilespmem:s25+$0xE410] =	vst v48  }
0xf3: {  	v53 =	vld [tilespmem:s25+$0x2810];
	[tilespmem:s25+$0xE420] =	vst v3;
	v3 =	vmul.f32 $1.959591870e+01, v46  }
0xf4: {  	v55 =	vld [tilespmem:s25+$0x2820];
	v54 =	vmul.f32 $1.959591870e+01, v47;
	[tilespmem:s25+$0xE430] =	vst v51  }
0xf5: {  	v56 =	vld [tilespmem:s25+$0x2830];
	[tilespmem:s25+$0xE440] =	vst v3;
	v3 =	vmul.f32 $1.959591870e+01, v49  }
0xf6: {  	v58 =	vld [tilespmem:s25+$0x2840];
	v57 =	vmul.f32 $1.959591870e+01, v50;
	[tilespmem:s25+$0xE450] =	vst v54  }
0xf7: {  	v59 =	vld [tilespmem:s25+$0x2850];
	[tilespmem:s25+$0xE460] =	vst v3;
	v3 =	vmul.f32 $1.959591870e+01, v52  }
0xf8: {  	v61 =	vld [tilespmem:s25+$0x2860];
	v60 =	vmul.f32 $1.959591870e+01, v53;
	[tilespmem:s25+$0xE470] =	vst v57  }
0xf9: {  	[tilespmem:s25+$0xE800] =	vst v3;
	v3 =	vmul.f32 $1.959591870e+01, v55  }
0xfa: {  	p1 =	seq.s32 s22, $0x1F;
	v62 =	vmul.f32 $1.959591870e+01, v56;
	[tilespmem:s25+$0xE810] =	vst v60  }
.Ltmp5:
0xfb: {  	[tilespmem:s25+$0xE820] =	vst v3;
	v3 =	vmul.f32 $1.959591870e+01, v58;
	(pc) =	sbr.rel @p1 .LBB2_6-.Ltmp5, $4  }
0xfc: {  	v63 =	vmul.f32 $1.959591870e+01, v59;
	[tilespmem:s25+$0xE830] =	vst v62  }
0xfd: {  	[tilespmem:s25+$0xE840] =	vst v3;
	v3 =	vmul.f32 $1.959591870e+01, v61  }
0xfe: {  	[tilespmem:s25+$0xE850] =	vst v63  }
0xff: {  	[tilespmem:s25+$0xE860] =	vst v3  }
0x100: {  	s24 =	sshrl.u32 s23, $0x2  }
0x101: {  	v3 =	vld [tilespmem:s24+$0x100];
	_ =	sdelay $0x4  }
0x102: {  	v4 =	vshrl.u32 v3, $0x3  }
0x103: {  	v4 =	vmul.u32 $0x18, v4  }
0x104: {  	v3 =	vand.u32 $0x7, v3  }
0x105: {  	v3 =	vor.u32 v3, v4  }
0x106: {  	v4 =	vperm.xlane v3, v0;
	_ =	sdelay $0x1  }
0x107: {  	v4 =	vadd.s32 v1, v4;
	_ =	sdelay $0x1  }
0x108: {  	v3 =	vperm.xlane v3, v2;
	_ =	sdelay $0x1  }
0x109: {  	s25 =	simm.s32 $0x2000;
	v3 =	vadd.s32 v1, v3  }
0x10a: {  	[tilespmem:s25], [sflag:$0x1] =	stream.indirect_vreg.gather [hbm4b:s2+s4], $0x80, v4, vm0, $0xb8;
	[tilespmem:$0x1A000] =	vst v63  }
0x10b: {  	s28 =	simm.s32 $0x2800  }
0x10c: {  	[tilespmem:s28], [sflag:$0x1] =	stream.indirect_vreg.gather [hbm4b:s7+s4], $0x80, v4, vm1, $0xb8;
	[tilespmem:$0x1A000] =	vst v63  }
0x10d: {  	s29 =	simm.s32 $0x2C00  }
0x10e: {  	[tilespmem:s29], [sflag:$0x1] =	stream.indirect_vreg.gather [hbm4b:s2+s4], $0x80, v3, vm0, $0xb8;
	[tilespmem:$0x1A000] =	vst v63  }
0x10f: {  	s30 =	simm.s32 $0x3400  }
0x110: {  	[tilespmem:s30], [sflag:$0x1] =	stream.indirect_vreg.gather [hbm4b:s7+s4], $0x80, v3, vm1, $0xb8;
	[tilespmem:$0x1A000] =	vst v63  }
0x111: {  	v3 =	vld [tilespmem:s24+$0x110];
	_ =	sdelay $0x4  }
0x112: {  	v61 =	vshrl.u32 v3, $0x3  }
0x113: {  	v4 =	vmul.u32 $0x18, v61  }
0x114: {  	v3 =	vand.u32 $0x7, v3  }
0x115: {  	v3 =	vor.u32 v3, v4  }
0x116: {  	v4 =	vperm.xlane v3, v0;
	_ =	sdelay $0x1  }
0x117: {  	v4 =	vadd.s32 v1, v4;
	_ =	sdelay $0x1  }
0x118: {  	v3 =	vperm.xlane v3, v2;
	_ =	sdelay $0x1  }
0x119: {  	s26 =	simm.s32 $0x3800;
	v3 =	vadd.s32 v1, v3  }
0x11a: {  	[tilespmem:s26], [sflag:$0x1] =	stream.indirect_vreg.gather [hbm4b:s2+s4], $0x80, v4, vm0, $0xb8;
	[tilespmem:$0x1A000] =	vst v63  }
0x11b: {  	s28 =	simm.s32 $0x4000  }
0x11c: {  	[tilespmem:s28], [sflag:$0x1] =	stream.indirect_vreg.gather [hbm4b:s7+s4], $0x80, v4, vm1, $0xb8;
	[tilespmem:$0x1A000] =	vst v63  }
0x11d: {  	s29 =	simm.s32 $0x4400  }
0x11e: {  	[tilespmem:s29], [sflag:$0x1] =	stream.indirect_vreg.gather [hbm4b:s2+s4], $0x80, v3, vm0, $0xb8;
	[tilespmem:$0x1A000] =	vst v63  }
0x11f: {  	s30 =	simm.s32 $0x4C00  }
0x120: {  	[tilespmem:s30], [sflag:$0x1] =	stream.indirect_vreg.gather [hbm4b:s7+s4], $0x80, v3, vm1, $0xb8;
	[tilespmem:$0x1A000] =	vst v63  }
0x121: {  	v3 =	vld [tilespmem:s24+$0x120];
	_ =	sdelay $0x4  }
0x122: {  	v62 =	vshrl.u32 v3, $0x3  }
0x123: {  	v4 =	vmul.u32 $0x18, v62  }
0x124: {  	v3 =	vand.u32 $0x7, v3  }
0x125: {  	v3 =	vor.u32 v3, v4  }
0x126: {  	v4 =	vperm.xlane v3, v0;
	_ =	sdelay $0x1  }
0x127: {  	v4 =	vadd.s32 v1, v4;
	_ =	sdelay $0x1  }
0x128: {  	v3 =	vperm.xlane v3, v2;
	_ =	sdelay $0x1  }
0x129: {  	s26 =	simm.s32 $0x5000;
	v3 =	vadd.s32 v1, v3  }
0x12a: {  	[tilespmem:s26], [sflag:$0x1] =	stream.indirect_vreg.gather [hbm4b:s2+s4], $0x80, v4, vm0, $0xb8;
	[tilespmem:$0x1A000] =	vst v63  }
0x12b: {  	s28 =	simm.s32 $0x5800  }
0x12c: {  	[tilespmem:s28], [sflag:$0x1] =	stream.indirect_vreg.gather [hbm4b:s7+s4], $0x80, v4, vm1, $0xb8;
	[tilespmem:$0x1A000] =	vst v63  }
0x12d: {  	s29 =	simm.s32 $0x5C00  }
0x12e: {  	[tilespmem:s29], [sflag:$0x1] =	stream.indirect_vreg.gather [hbm4b:s2+s4], $0x80, v3, vm0, $0xb8;
	[tilespmem:$0x1A000] =	vst v63  }
0x12f: {  	s30 =	simm.s32 $0x6400  }
0x130: {  	[tilespmem:s30], [sflag:$0x1] =	stream.indirect_vreg.gather [hbm4b:s7+s4], $0x80, v3, vm1, $0xb8;
	[tilespmem:$0x1A000] =	vst v63  }
0x131: {  	v3 =	vld [tilespmem:s24+$0x130];
	_ =	sdelay $0x4  }
0x132: {  	v63 =	vshrl.u32 v3, $0x3  }
0x133: {  	v4 =	vmul.u32 $0x18, v63  }
0x134: {  	v3 =	vand.u32 $0x7, v3  }
0x135: {  	v3 =	vor.u32 v3, v4  }
0x136: {  	v4 =	vperm.xlane v3, v0;
	_ =	sdelay $0x1  }
0x137: {  	v4 =	vadd.s32 v1, v4;
	_ =	sdelay $0x1  }
0x138: {  	v3 =	vperm.xlane v3, v2;
	_ =	sdelay $0x1  }
0x139: {  	s26 =	simm.s32 $0x6800;
	v3 =	vadd.s32 v1, v3  }
0x13a: {  	[tilespmem:s26], [sflag:$0x1] =	stream.indirect_vreg.gather [hbm4b:s2+s4], $0x80, v4, vm0, $0xb8;
	[tilespmem:$0x1A000] =	vst v63  }
0x13b: {  	s28 =	simm.s32 $0x7000  }
0x13c: {  	[tilespmem:s28], [sflag:$0x1] =	stream.indirect_vreg.gather [hbm4b:s7+s4], $0x80, v4, vm1, $0xb8;
	[tilespmem:$0x1A000] =	vst v63  }
0x13d: {  	s29 =	simm.s32 $0x7400  }
0x13e: {  	[tilespmem:s29], [sflag:$0x1] =	stream.indirect_vreg.gather [hbm4b:s2+s4], $0x80, v3, vm0, $0xb8;
	[tilespmem:$0x1A000] =	vst v63  }
0x13f: {  	s30 =	simm.s32 $0x7C00  }
0x140: {  	[tilespmem:s30], [sflag:$0x1] =	stream.indirect_vreg.gather [hbm4b:s7+s4], $0x80, v3, vm1, $0xb8;
	[tilespmem:$0x1A000] =	vst v63  }
.LBB2_6:
0x141: {  	s24 =	sshll.u32 s22, $0x7  }
0x142: {  	s24 =	sor.u32 s5, s24  }
0x143: {  	s24 =	sshrl.u32 s24, $0x3  }
0x144: {  	s24 =	smul.u32 $0x180, s24;
	_ =	sdelay $0x1  }
0x145: {  	s25 =	sadd.s32 s3, s24  }
0x146: {  	[hbm4b:s25+s4] =	stream.linear.scatter [tilespmem:s19], [sflag:$0x3], $0x6000, $0x38;
	[tilespmem:$0x1A000] =	vst v63  }
0x147: {  	_ =	swait.ge [sflag:s20], $0x6000  }
0x148: {  	[sflag:s20] =	ssyncset.done $0x0  }
0x149: {  	s28 =	simm.s32 $0x0;
	s25 =	simm.s32 @!p0 $0x4;
	[sflag:s20] =	ssyncadd.s32 $0xFFFFA000  }
0x14a: {  	s26 =	simm.s32 $0x0;
	s28 =	smul.u32 $0xC00, s28;
	_ =	swait.ge @!p0 [sflag:s25], $0x6000  }
0x14b: {  	s29 =	sand.u32 $0x380, s26;
	[sflag:s25] =	ssyncset.done @!p0 $0x0  }
0x14c: {  	[sflag:s25] =	ssyncadd.s32 @!p0 $0xFFFFA000;
	s25 =	sor.u32 s29, s28  }
0x14d: {  	v3 =	vld [tilespmem:s25+$0x8870]  }
0x14e: {  	v4 =	vld [tilespmem:s25+$0x8000]  }
0x14f: {  	v5 =	vld [tilespmem:s25+$0x8010]  }
0x150: {  	v6 =	vld [tilespmem:s25+$0x8020]  }
0x151: {  	v7 =	vld [tilespmem:s25+$0x8030]  }
0x152: {  	v8 =	vld [tilespmem:s25+$0x8040]  }
0x153: {  	v9 =	vld [tilespmem:s25+$0x8050];
	v3 =	vmul.f32 $1.959591870e+01, v3  }
0x154: {  	v4 =	vmul.f32 $1.959591870e+01, v4  }
0x155: {  	[tilespmem:s25+$0x14870] =	vst v3;
	v3 =	vmul.f32 $1.959591870e+01, v5  }
0x156: {  	v10 =	vld [tilespmem:s25+$0x8060];
	[tilespmem:s25+$0x14000] =	vst v4;
	v5 =	vmul.f32 $1.959591870e+01, v6  }
0x157: {  	v4 =	vld [tilespmem:s25+$0x8070];
	v6 =	vmul.f32 $1.959591870e+01, v7;
	[tilespmem:s25+$0x14010] =	vst v3  }
0x158: {  	v7 =	vmul.f32 $1.959591870e+01, v8;
	v8 =	vmul.f32 $1.959591870e+01, v9;
	v3 =	vld [tilespmem:s25+$0x8400];
	[tilespmem:s25+$0x14020] =	vst v5  }
0x159: {  	v5 =	vld [tilespmem:s25+$0x8410];
	[tilespmem:s25+$0x14030] =	vst v6  }
0x15a: {  	[tilespmem:s25+$0x14050] =	vst v8;
	v8 =	vld [tilespmem:s25+$0x8440]  }
0x15b: {  	v6 =	vld [tilespmem:s25+$0x8420];
	[tilespmem:s25+$0x14040] =	vst v7;
	v7 =	vmul.f32 $1.959591870e+01, v10  }
0x15c: {  	v9 =	vld [tilespmem:s25+$0x8430];
	v4 =	vmul.f32 $1.959591870e+01, v4  }
0x15d: {  	v10 =	vld [tilespmem:s25+$0x8450];
	[tilespmem:s25+$0x14060] =	vst v7;
	v3 =	vmul.f32 $1.959591870e+01, v3  }
0x15e: {  	v11 =	vld [tilespmem:s25+$0x8460];
	[tilespmem:s25+$0x14070] =	vst v4;
	v4 =	vmul.f32 $1.959591870e+01, v5  }
0x15f: {  	v7 =	vld [tilespmem:s25+$0x8470];
	v8 =	vmul.f32 $1.959591870e+01, v8;
	[tilespmem:s25+$0x14400] =	vst v3  }
0x160: {  	v5 =	vld [tilespmem:s25+$0x8800];
	v3 =	vmul.f32 $1.959591870e+01, v6;
	[tilespmem:s25+$0x14410] =	vst v4  }
0x161: {  	v6 =	vmul.f32 $1.959591870e+01, v9;
	v4 =	vld [tilespmem:s25+$0x8810];
	[tilespmem:s25+$0x14440] =	vst v8  }
0x162: {  	v8 =	vmul.f32 $1.959591870e+01, v10;
	[tilespmem:s25+$0x14420] =	vst v3;
	v3 =	vld [tilespmem:s25+$0x8820]  }
0x163: {  	s29 =	simm.s32 $0x0;
	s28 =	simm.s32 $0x2;
	v9 =	vmul.f32 $1.959591870e+01, v11;
	[tilespmem:s25+$0x14430] =	vst v6;
	v6 =	vld [tilespmem:s25+$0x8830]  }
.LBB2_7:
0x164: {  	p0 =	sne.s32 s28, $0x3F;
	s29 =	smul.u32 $0xC00, s29;
	[tilespmem:s25+$0x14450] =	vst v8;
	v7 =	vmul.f32 $1.959591870e+01, v7;
	v8 =	vld [tilespmem:s25+$0x8840];
	s26 =	sadd.s32 $0x80, s26  }
0x165: {  	s30 =	sand.u32 $0x380, s26;
	[tilespmem:s25+$0x14460] =	vst v9;
	v5 =	vmul.f32 $1.959591870e+01, v5;
	v9 =	vld [tilespmem:s25+$0x8850]  }
0x166: {  	s29 =	sor.u32 s30, s29;
	[tilespmem:s25+$0x14470] =	vst v7;
	v4 =	vmul.f32 $1.959591870e+01, v4;
	v7 =	vld [tilespmem:s25+$0x8860]  }
0x167: {  	v10 =	vld [tilespmem:s29+$0x8870];
	[tilespmem:s25+$0x14800] =	vst v5;
	v3 =	vmul.f32 $1.959591870e+01, v3  }
0x168: {  	v5 =	vld [tilespmem:s29+$0x8000];
	[tilespmem:s25+$0x14810] =	vst v4;
	v4 =	vmul.f32 $1.959591870e+01, v6  }
0x169: {  	v6 =	vld [tilespmem:s29+$0x8010];
	[tilespmem:s25+$0x14820] =	vst v3;
	v3 =	vmul.f32 $1.959591870e+01, v8  }
0x16a: {  	v8 =	vld [tilespmem:s29+$0x8020];
	[tilespmem:s25+$0x14830] =	vst v4;
	v4 =	vmul.f32 $1.959591870e+01, v9  }
0x16b: {  	v9 =	vld [tilespmem:s29+$0x8030];
	[tilespmem:s25+$0x14840] =	vst v3;
	v3 =	vmul.f32 $1.959591870e+01, v7  }
0x16c: {  	v7 =	vld [tilespmem:s29+$0x8040];
	v10 =	vmul.f32 $1.959591870e+01, v10;
	[tilespmem:s25+$0x14850] =	vst v4  }
0x16d: {  	v4 =	vmul.f32 $1.959591870e+01, v5;
	v5 =	vld [tilespmem:s29+$0x8050];
	[tilespmem:s25+$0x14860] =	vst v3;
	s25 =	smov.u32 s29  }
0x16e: {  	v3 =	vmul.f32 $1.959591870e+01, v6;
	v6 =	vld [tilespmem:s25+$0x8060];
	[tilespmem:s25+$0x14870] =	vst v10  }
0x16f: {  	[tilespmem:s25+$0x14000] =	vst v4;
	v4 =	vmul.f32 $1.959591870e+01, v8;
	v8 =	vld [tilespmem:s25+$0x8070]  }
0x170: {  	[tilespmem:s25+$0x14010] =	vst v3;
	v3 =	vmul.f32 $1.959591870e+01, v9;
	v9 =	vld [tilespmem:s25+$0x8400]  }
0x171: {  	[tilespmem:s25+$0x14020] =	vst v4;
	v4 =	vmul.f32 $1.959591870e+01, v7;
	v7 =	vld [tilespmem:s25+$0x8410]  }
0x172: {  	[tilespmem:s25+$0x14030] =	vst v3;
	v3 =	vmul.f32 $1.959591870e+01, v5;
	v5 =	vld [tilespmem:s25+$0x8420]  }
0x173: {  	[tilespmem:s25+$0x14040] =	vst v4;
	v4 =	vmul.f32 $1.959591870e+01, v6;
	v6 =	vld [tilespmem:s25+$0x8430]  }
0x174: {  	[tilespmem:s25+$0x14050] =	vst v3;
	v3 =	vmul.f32 $1.959591870e+01, v8;
	v8 =	vld [tilespmem:s25+$0x8440]  }
0x175: {  	[tilespmem:s25+$0x14060] =	vst v4;
	v4 =	vmul.f32 $1.959591870e+01, v9;
	v9 =	vld [tilespmem:s25+$0x8450]  }
0x176: {  	[tilespmem:s25+$0x14070] =	vst v3;
	v3 =	vmul.f32 $1.959591870e+01, v7;
	v10 =	vld [tilespmem:s25+$0x8460]  }
.Ltmp6:
0x177: {  	[tilespmem:s25+$0x14400] =	vst v4;
	v4 =	vmul.f32 $1.959591870e+01, v5;
	v7 =	vld [tilespmem:s25+$0x8470];
	(pc) =	sbr.rel @p0 .LBB2_7-.Ltmp6, $4  }
0x178: {  	[tilespmem:s25+$0x14410] =	vst v3;
	v3 =	vmul.f32 $1.959591870e+01, v6;
	v5 =	vld [tilespmem:s25+$0x8800]  }
0x179: {  	[tilespmem:s25+$0x14420] =	vst v4;
	v6 =	vmul.f32 $1.959591870e+01, v8;
	v4 =	vld [tilespmem:s25+$0x8810]  }
0x17a: {  	[tilespmem:s25+$0x14430] =	vst v3;
	v8 =	vmul.f32 $1.959591870e+01, v9;
	v3 =	vld [tilespmem:s25+$0x8820]  }
0x17b: {  	s29 =	sshrl.u32 s28, $0x3;
	s28 =	sadd.s32 $0x1, s28;
	[tilespmem:s25+$0x14440] =	vst v6;
	v9 =	vmul.f32 $1.959591870e+01, v10;
	v6 =	vld [tilespmem:s25+$0x8830]  }
0x17c: {  	[tilespmem:s25+$0x14450] =	vst v8;
	v33 =	vld [tilespmem:s25+$0x8840];
	v7 =	vmul.f32 $1.959591870e+01, v7;
	s28 =	smul.u32 $0xC00, s29;
	s26 =	sadd.s32 $0x80, s26  }
0x17d: {  	v34 =	vld [tilespmem:s25+$0x8850];
	[tilespmem:s25+$0x14460] =	vst v9;
	s26 =	sand.u32 $0x380, s26;
	v5 =	vmul.f32 $1.959591870e+01, v5  }
0x17e: {  	v35 =	vld [tilespmem:s25+$0x8860];
	[tilespmem:s25+$0x14470] =	vst v7;
	s26 =	sor.u32 s26, s28;
	v4 =	vmul.f32 $1.959591870e+01, v4  }
0x17f: {  	v10 =	vld [tilespmem:s26+$0x8870];
	[tilespmem:s25+$0x14800] =	vst v5;
	v3 =	vmul.f32 $1.959591870e+01, v3  }
0x180: {  	v5 =	vld [tilespmem:s26+$0x8000];
	[tilespmem:s25+$0x14810] =	vst v4;
	v6 =	vmul.f32 $1.959591870e+01, v6  }
0x181: {  	v4 =	vld [tilespmem:s26+$0x8010];
	[tilespmem:s25+$0x14820] =	vst v3;
	v8 =	vmul.f32 $1.959591870e+01, v33  }
0x182: {  	v9 =	vmul.f32 $1.959591870e+01, v34;
	v3 =	vld [tilespmem:s26+$0x8020];
	[tilespmem:s25+$0x14830] =	vst v6  }
0x183: {  	v7 =	vmul.f32 $1.959591870e+01, v35;
	v6 =	vld [tilespmem:s26+$0x8030];
	[tilespmem:s25+$0x14840] =	vst v8  }
0x184: {  	v8 =	vld [tilespmem:s26+$0x8040];
	[tilespmem:s25+$0x14850] =	vst v9;
	v36 =	vmul.f32 $1.959591870e+01, v10  }
0x185: {  	v37 =	vld [tilespmem:s26+$0x8050];
	v5 =	vmul.f32 $1.959591870e+01, v5;
	[tilespmem:s25+$0x14860] =	vst v7  }
0x186: {  	v4 =	vmul.f32 $1.959591870e+01, v4;
	v7 =	vld [tilespmem:s26+$0x8060];
	[tilespmem:s26+$0x14870] =	vst v36  }
0x187: {  	v38 =	vld [tilespmem:s26+$0x8070];
	[tilespmem:s26+$0x14000] =	vst v5;
	v3 =	vmul.f32 $1.959591870e+01, v3  }
0x188: {  	v40 =	vld [tilespmem:s26+$0x8400];
	[tilespmem:s26+$0x14010] =	vst v4;
	v39 =	vmul.f32 $1.959591870e+01, v6  }
0x189: {  	v41 =	vld [tilespmem:s26+$0x8410];
	[tilespmem:s26+$0x14020] =	vst v3;
	v3 =	vmul.f32 $1.959591870e+01, v8  }
0x18a: {  	v43 =	vld [tilespmem:s26+$0x8420];
	[tilespmem:s26+$0x14030] =	vst v39;
	v42 =	vmul.f32 $1.959591870e+01, v37  }
0x18b: {  	v44 =	vld [tilespmem:s26+$0x8430];
	[tilespmem:s26+$0x14040] =	vst v3;
	v3 =	vmul.f32 $1.959591870e+01, v7  }
0x18c: {  	v46 =	vld [tilespmem:s26+$0x8440];
	v45 =	vmul.f32 $1.959591870e+01, v38;
	[tilespmem:s26+$0x14050] =	vst v42  }
0x18d: {  	v47 =	vld [tilespmem:s26+$0x8450];
	[tilespmem:s26+$0x14060] =	vst v3;
	v3 =	vmul.f32 $1.959591870e+01, v40  }
0x18e: {  	v49 =	vld [tilespmem:s26+$0x8460];
	v48 =	vmul.f32 $1.959591870e+01, v41;
	[tilespmem:s26+$0x14070] =	vst v45  }
0x18f: {  	v50 =	vld [tilespmem:s26+$0x8470];
	[tilespmem:s26+$0x14400] =	vst v3;
	v3 =	vmul.f32 $1.959591870e+01, v43  }
0x190: {  	v52 =	vld [tilespmem:s26+$0x8800];
	v51 =	vmul.f32 $1.959591870e+01, v44;
	[tilespmem:s26+$0x14410] =	vst v48  }
0x191: {  	v53 =	vld [tilespmem:s26+$0x8810];
	[tilespmem:s26+$0x14420] =	vst v3;
	v3 =	vmul.f32 $1.959591870e+01, v46  }
0x192: {  	v55 =	vld [tilespmem:s26+$0x8820];
	v54 =	vmul.f32 $1.959591870e+01, v47;
	[tilespmem:s26+$0x14430] =	vst v51  }
0x193: {  	v56 =	vld [tilespmem:s26+$0x8830];
	[tilespmem:s26+$0x14440] =	vst v3;
	v3 =	vmul.f32 $1.959591870e+01, v49  }
0x194: {  	v58 =	vld [tilespmem:s26+$0x8840];
	v57 =	vmul.f32 $1.959591870e+01, v50;
	[tilespmem:s26+$0x14450] =	vst v54  }
0x195: {  	v59 =	vld [tilespmem:s26+$0x8850];
	[tilespmem:s26+$0x14460] =	vst v3;
	v3 =	vmul.f32 $1.959591870e+01, v52  }
0x196: {  	v61 =	vld [tilespmem:s26+$0x8860];
	v60 =	vmul.f32 $1.959591870e+01, v53;
	[tilespmem:s26+$0x14470] =	vst v57  }
0x197: {  	[tilespmem:s26+$0x14800] =	vst v3;
	v3 =	vmul.f32 $1.959591870e+01, v55  }
0x198: {  	v62 =	vmul.f32 $1.959591870e+01, v56;
	[tilespmem:s26+$0x14810] =	vst v60  }
.Ltmp7:
0x199: {  	[tilespmem:s26+$0x14820] =	vst v3;
	v3 =	vmul.f32 $1.959591870e+01, v58;
	(pc) =	sbr.rel @p1 .LBB2_10-.Ltmp7, $4  }
0x19a: {  	v63 =	vmul.f32 $1.959591870e+01, v59;
	[tilespmem:s26+$0x14830] =	vst v62  }
0x19b: {  	[tilespmem:s26+$0x14840] =	vst v3;
	v3 =	vmul.f32 $1.959591870e+01, v61  }
0x19c: {  	[tilespmem:s26+$0x14850] =	vst v63  }
0x19d: {  	[tilespmem:s26+$0x14860] =	vst v3  }
0x19e: {  	s23 =	sshrl.u32 s23, $0x2  }
0x19f: {  	v3 =	vld [tilespmem:s23+$0x180];
	_ =	sdelay $0x4  }
0x1a0: {  	v4 =	vshrl.u32 v3, $0x3  }
0x1a1: {  	v4 =	vmul.u32 $0x18, v4  }
0x1a2: {  	v3 =	vand.u32 $0x7, v3  }
0x1a3: {  	v3 =	vor.u32 v3, v4  }
0x1a4: {  	v4 =	vperm.xlane v3, v0;
	_ =	sdelay $0x1  }
0x1a5: {  	v4 =	vadd.s32 v1, v4;
	_ =	sdelay $0x1  }
0x1a6: {  	v3 =	vperm.xlane v3, v2;
	_ =	sdelay $0x1  }
0x1a7: {  	s25 =	simm.s32 $0x8000;
	v3 =	vadd.s32 v1, v3  }
0x1a8: {  	[tilespmem:s25], [sflag:$0x2] =	stream.indirect_vreg.gather [hbm4b:s2+s4], $0x80, v4, vm0, $0xb8;
	[tilespmem:$0x1A000] =	vst v63  }
0x1a9: {  	s29 =	simm.s32 $0x8800  }
0x1aa: {  	[tilespmem:s29], [sflag:$0x2] =	stream.indirect_vreg.gather [hbm4b:s7+s4], $0x80, v4, vm1, $0xb8;
	[tilespmem:$0x1A000] =	vst v63  }
0x1ab: {  	s30 =	simm.s32 $0x8C00  }
0x1ac: {  	[tilespmem:s30], [sflag:$0x2] =	stream.indirect_vreg.gather [hbm4b:s2+s4], $0x80, v3, vm0, $0xb8;
	[tilespmem:$0x1A000] =	vst v63  }
0x1ad: {  	_ = 	snop  }
0x1ae: {  	[tilespmem:s31], [sflag:$0x2] =	stream.indirect_vreg.gather [hbm4b:s7+s4], $0x80, v3, vm1, $0xb8;
	[tilespmem:$0x1A000] =	vst v63  }
0x1af: {  	v3 =	vld [tilespmem:s23+$0x190];
	_ =	sdelay $0x4  }
0x1b0: {  	v61 =	vshrl.u32 v3, $0x3  }
0x1b1: {  	v4 =	vmul.u32 $0x18, v61  }
0x1b2: {  	v3 =	vand.u32 $0x7, v3  }
0x1b3: {  	v3 =	vor.u32 v3, v4  }
0x1b4: {  	v4 =	vperm.xlane v3, v0;
	_ =	sdelay $0x1  }
0x1b5: {  	v4 =	vadd.s32 v1, v4;
	_ =	sdelay $0x1  }
0x1b6: {  	v3 =	vperm.xlane v3, v2;
	_ =	sdelay $0x1  }
0x1b7: {  	v3 =	vadd.s32 v1, v3  }
0x1b8: {  	[tilespmem:s0], [sflag:$0x2] =	stream.indirect_vreg.gather [hbm4b:s2+s4], $0x80, v4, vm0, $0xb8;
	[tilespmem:$0x1A000] =	vst v63  }
0x1b9: {  	_ = 	snop  }
0x1ba: {  	[tilespmem:s1], [sflag:$0x2] =	stream.indirect_vreg.gather [hbm4b:s7+s4], $0x80, v4, vm1, $0xb8;
	[tilespmem:$0x1A000] =	vst v63  }
0x1bb: {  	_ = 	snop  }
0x1bc: {  	[tilespmem:s6], [sflag:$0x2] =	stream.indirect_vreg.gather [hbm4b:s2+s4], $0x80, v3, vm0, $0xb8;
	[tilespmem:$0x1A000] =	vst v63  }
0x1bd: {  	_ = 	snop  }
0x1be: {  	[tilespmem:s8], [sflag:$0x2] =	stream.indirect_vreg.gather [hbm4b:s7+s4], $0x80, v3, vm1, $0xb8;
	[tilespmem:$0x1A000] =	vst v63  }
0x1bf: {  	v3 =	vld [tilespmem:s23+$0x1A0];
	_ =	sdelay $0x4  }
0x1c0: {  	v62 =	vshrl.u32 v3, $0x3  }
0x1c1: {  	v4 =	vmul.u32 $0x18, v62  }
0x1c2: {  	v3 =	vand.u32 $0x7, v3  }
0x1c3: {  	v3 =	vor.u32 v3, v4  }
0x1c4: {  	v4 =	vperm.xlane v3, v0;
	_ =	sdelay $0x1  }
0x1c5: {  	v4 =	vadd.s32 v1, v4;
	_ =	sdelay $0x1  }
0x1c6: {  	v3 =	vperm.xlane v3, v2;
	_ =	sdelay $0x1  }
0x1c7: {  	v3 =	vadd.s32 v1, v3  }
0x1c8: {  	[tilespmem:s10], [sflag:$0x2] =	stream.indirect_vreg.gather [hbm4b:s2+s4], $0x80, v4, vm0, $0xb8;
	[tilespmem:$0x1A000] =	vst v63  }
0x1c9: {  	_ = 	snop  }
0x1ca: {  	[tilespmem:s11], [sflag:$0x2] =	stream.indirect_vreg.gather [hbm4b:s7+s4], $0x80, v4, vm1, $0xb8;
	[tilespmem:$0x1A000] =	vst v63  }
0x1cb: {  	_ = 	snop  }
0x1cc: {  	[tilespmem:s12], [sflag:$0x2] =	stream.indirect_vreg.gather [hbm4b:s2+s4], $0x80, v3, vm0, $0xb8;
	[tilespmem:$0x1A000] =	vst v63  }
0x1cd: {  	_ = 	snop  }
0x1ce: {  	[tilespmem:s13], [sflag:$0x2] =	stream.indirect_vreg.gather [hbm4b:s7+s4], $0x80, v3, vm1, $0xb8;
	[tilespmem:$0x1A000] =	vst v63  }
0x1cf: {  	v3 =	vld [tilespmem:s23+$0x1B0];
	_ =	sdelay $0x4  }
0x1d0: {  	v63 =	vshrl.u32 v3, $0x3  }
0x1d1: {  	v4 =	vmul.u32 $0x18, v63  }
0x1d2: {  	v3 =	vand.u32 $0x7, v3  }
0x1d3: {  	v3 =	vor.u32 v3, v4  }
0x1d4: {  	v4 =	vperm.xlane v3, v0;
	_ =	sdelay $0x1  }
0x1d5: {  	v4 =	vadd.s32 v1, v4;
	_ =	sdelay $0x2  }
0x1d6: {  	v3 =	vperm.xlane v3, v2;
	_ =	sdelay $0x1  }
0x1d7: {  	v3 =	vadd.s32 v1, v3;
	[tilespmem:s14], [sflag:$0x2] =	stream.indirect_vreg.gather [hbm4b:s2+s4], $0x80, v4, vm0, $0xb8;
	[tilespmem:$0x1A000] =	vst v63  }
0x1d8: {  	_ = 	snop  }
0x1d9: {  	[tilespmem:s15], [sflag:$0x2] =	stream.indirect_vreg.gather [hbm4b:s7+s4], $0x80, v4, vm1, $0xb8;
	[tilespmem:$0x1A000] =	vst v63  }
.Ltmp8:
0x1da: {  	_ = 	snop;
	(pc) =	sbr.rel .LBB2_10-.Ltmp8, $4  }
0x1db: {  	_ = 	snop  }
0x1dc: {  	[tilespmem:s16], [sflag:$0x2] =	stream.indirect_vreg.gather [hbm4b:s2+s4], $0x80, v3, vm0, $0xb8;
	[tilespmem:$0x1A000] =	vst v63  }
0x1dd: {  	_ = 	snop  }
0x1de: {  	[tilespmem:s17], [sflag:$0x2] =	stream.indirect_vreg.gather [hbm4b:s7+s4], $0x80, v3, vm1, $0xb8;
	[tilespmem:$0x1A000] =	vst v63  }
.LBB2_12:
0x1df: {  	_ =	sfence.sel $0x180000  }
0x1e0: {  	[bflag:$0x0] =	sbarrier.arrive $0xFFFF  }
0x1e1: {  	_ =	strace $0x90000047  }
0x1e2: {  	s0 =	stileid.u32;
	[bflag:$0x2] =	sbarrier.arrive $0xFFFF  }
0x1e3: {  	p0 =	sne.s32 s0, $0x0;
	s0 =	rddreg [dreg:$0x3]  }
0x1e4: {  	s0 =	sadd.s32 @!p0 $0x100000, s0  }
0x1e5: {  	[sflag:s0] =	ssyncadd.tile.s32 @!p0 $0x1;
	_ =	shalt  }
.Lfunc_end2:
_tile_overlayer_lowered:
.L_overlay_start_2:
0x1e6: {  	(tag) =	ssettag $0x2  }
0x1e7: {  	s0 =	rddreg [dreg:$0x0];
	s2 =	stileid.u32  }
0x1e8: {  	s1 =	rddreg [dreg:$0x1];
	p0 =	sne.s32 s2, $0x0  }
0x1e9: {  	s3 =	rddreg [dreg:$0x2];
	[bflag:$0x3] =	sbarrier.arrive $0xFFFF;
	s2 =	simm.s32 @!p0 $0x1C05  }
0x1ea: {  	[timem:s3], [sflag:s2] =	dma.local @!p0 [hbm:s0], s1  }
0x1eb: {  	s0 =	simm.s32 @!p0 $0x5  }
0x1ec: {  	_ =	swait.ge @!p0 [sflag:s0], s1  }
0x1ed: {  	s1 =	ssub.s32 @!p0 $0x0, s1;
	[sflag:s0] =	ssyncset.done @!p0 $0x0  }
0x1ee: {  	[sflag:s0] =	ssyncadd.s32 @!p0 s1  }
0x1ef: {  	[bflag:$0x3] =	sbarrier.arrive $0xFFFF  }
0x1f0: {  	_ =	shalt  }

</sc_bundles>
